<compile_context>
chip_gen: v7x
topology: tpu7x:2x2x1
jax: 0.10.2.dev20260603
libtpu: 0.0.44.dev20260713+nightly
codegen_flags: <defaults>
</compile_context>

<pallas_src>
import functools

import jax
import jax.numpy as jnp
from jax import lax
from jax.experimental import pallas as pl
from jax.experimental.pallas import tpu as pltpu
from jax.experimental.pallas import tpu_sc as plsc

_NUM_EXPERTS = 8
_TOP_K = 2
_LANES = 16


def _router_tc_body(x_ref, w_ref, logits_t_ref, scores_t_ref):
    l = lax.dot_general(
        x_ref[...], w_ref[...],
        dimension_numbers=(((1,), (1,)), ((), ())),
        preferred_element_type=jnp.float32,
    )
    logits_t_ref[...] = l.T
    m = jnp.max(l, axis=-1, keepdims=True)
    e = jnp.exp(l - m)
    s = e / jnp.sum(e, axis=-1, keepdims=True)
    scores_t_ref[...] = s.T


@functools.lru_cache(maxsize=None)
def _make_topk_sc(total_tokens):
    info = plsc.get_sparse_core_info()
    nc, ns = info.num_cores, info.num_subcores
    nw = nc * ns
    tpw = total_tokens // nw
    assert tpw * nw == total_tokens and tpw % _LANES == 0
    mesh = plsc.VectorSubcoreMesh(core_axis_name="c", subcore_axis_name="s")

    @functools.partial(
        pl.kernel,
        mesh=mesh,
        out_type=(
            jax.ShapeDtypeStruct((total_tokens,), jnp.float32),
            jax.ShapeDtypeStruct((total_tokens,), jnp.float32),
            jax.ShapeDtypeStruct((total_tokens,), jnp.int32),
            jax.ShapeDtypeStruct((total_tokens,), jnp.int32),
        ),
        scratch_types=[
            pltpu.VMEM((_NUM_EXPERTS * tpw,), jnp.float32),
            pltpu.VMEM((tpw,), jnp.float32),
            pltpu.VMEM((tpw,), jnp.float32),
            pltpu.VMEM((tpw,), jnp.int32),
            pltpu.VMEM((tpw,), jnp.int32),
        ],
    )
    def topk_sc(st_hbm, w1_hbm, w2_hbm, i1_hbm, i2_hbm, sv, wv1, wv2, iv1, iv2):
        wid = lax.axis_index("s") * nc + lax.axis_index("c")
        base = wid * tpw
        for e in range(_NUM_EXPERTS):
            pltpu.sync_copy(st_hbm.at[e, pl.ds(base, tpw)],
                            sv.at[pl.ds(e * tpw, tpw)])

        def body(g, carry):
            off = g * _LANES
            cols = [sv[pl.ds(e * tpw + off, _LANES)]
                    for e in range(_NUM_EXPERTS)]
            m1 = cols[0]
            i1 = jnp.zeros((_LANES,), jnp.int32)
            m2 = jnp.full((_LANES,), -jnp.inf, jnp.float32)
            i2 = jnp.zeros((_LANES,), jnp.int32)
            for e in range(1, _NUM_EXPERTS):
                c = cols[e]
                ev = jnp.full((_LANES,), e, jnp.int32)
                new_top = c > m1
                beats2 = c > m2
                m2 = jnp.where(new_top, m1, jnp.where(beats2, c, m2))
                i2 = jnp.where(new_top, i1, jnp.where(beats2, ev, i2))
                m1 = jnp.where(new_top, c, m1)
                i1 = jnp.where(new_top, ev, i1)
            wv1[pl.ds(off, _LANES)] = m1
            wv2[pl.ds(off, _LANES)] = m2
            iv1[pl.ds(off, _LANES)] = i1
            iv2[pl.ds(off, _LANES)] = i2
            return carry

        lax.fori_loop(0, tpw // _LANES, body, 0)
        pltpu.sync_copy(wv1, w1_hbm.at[pl.ds(base, tpw)])
        pltpu.sync_copy(wv2, w2_hbm.at[pl.ds(base, tpw)])
        pltpu.sync_copy(iv1, i1_hbm.at[pl.ds(base, tpw)])
        pltpu.sync_copy(iv2, i2_hbm.at[pl.ds(base, tpw)])

    return topk_sc


def kernel(x, W):
    t = x.shape[0] * x.shape[1]
    h = x.shape[-1]
    xt = x.reshape(t, h)
    blk = 2048
    logits_t, scores_t = pl.pallas_call(
        _router_tc_body,
        grid=(t // blk,),
        in_specs=[
            pl.BlockSpec((blk, h), lambda i: (i, 0)),
            pl.BlockSpec((_NUM_EXPERTS, h), lambda i: (0, 0)),
        ],
        out_specs=[
            pl.BlockSpec((_NUM_EXPERTS, blk), lambda i: (0, i)),
            pl.BlockSpec((_NUM_EXPERTS, blk), lambda i: (0, i)),
        ],
        out_shape=[
            jax.ShapeDtypeStruct((_NUM_EXPERTS, t), jnp.float32),
            jax.ShapeDtypeStruct((_NUM_EXPERTS, t), jnp.float32),
        ],
    )(xt, W)
    w1, w2, i1, i2 = _make_topk_sc(t)(scores_t)
    expert_weights = jnp.stack([w1, w2], axis=-1)
    expert_indices = jnp.stack([i1, i2], axis=-1)
    return scores_t.T, logits_t.T, expert_weights, expert_indices

# --- scband reference (transcript-rebuilt; emitter-appended) ---
"""Pipeline reference for scband-learned-router-47442208751772 (READ-ONLY COPY).

The authoritative reference and input builder live on the scoring server;
editing this copy changes nothing except your own understanding.
"""

import jax, jax.numpy as jnp
import numpy as np

NUM_EXPERTS = 8
TOP_K = 2

def setup_inputs(seed: int = 0) -> dict:
    key = jax.random.key(seed)
    k1, k2 = jax.random.split(key)
    x = jax.random.normal(k1, (4, 8192, 1024), dtype=jnp.float32)
    # router linear weight, shape [num_experts, hidden_size] like torch.nn.Linear
    W = jax.random.normal(k2, (NUM_EXPERTS, 1024), dtype=jnp.float32) * 0.02
    return {"x": x, "W": W}

def reference(x, W):
    # token-level routing path (moe_expert_choice=False, no jitter in eval,
    # no prune_list, no random_router, no weight normalization, no uniform assignment)
    xt = x.reshape(-1, x.shape[-1])           # [B*S, d]
    logits = xt @ W.T                          # [B*S, E]
    scores = jax.nn.softmax(logits, axis=-1)   # [B*S, E]
    expert_weights, expert_indices = jax.lax.top_k(scores, TOP_K)  # [B*S, top_k]
    return scores, logits, expert_weights, expert_indices

if __name__ == "__main__":
    import jax
    _d = setup_inputs()
    print(jax.jit(kernel)(*tuple(_d.values())))

</pallas_src>

<mosaic_0001>
#map = affine_map<(d0, d1) -> (0, 0)>
#map1 = affine_map<(d0, d1) -> (0)>
module attributes {stable_mosaic.version = 14 : i64} {
  func.func @topk_sc(%arg0: i32, %arg1: i32, %arg2: memref<8x32768xf32, #tpu.memory_space<hbm>>, %arg3: memref<32768xf32, #tpu.memory_space<hbm>>, %arg4: memref<32768xf32, #tpu.memory_space<hbm>>, %arg5: memref<32768xi32, #tpu.memory_space<hbm>>, %arg6: memref<32768xi32, #tpu.memory_space<hbm>>, %arg7: memref<8192xf32, #tpu.memory_space<vmem>>, %arg8: memref<1024xf32, #tpu.memory_space<vmem>>, %arg9: memref<1024xf32, #tpu.memory_space<vmem>>, %arg10: memref<1024xi32, #tpu.memory_space<vmem>>, %arg11: memref<1024xi32, #tpu.memory_space<vmem>>) attributes {dimension_semantics = [#tpu.dimension_semantics<core_parallel>, #tpu.dimension_semantics<subcore_parallel>], iteration_bounds = array<i64: 2, 16>, scalar_prefetch = 0 : i64, scratch_operands = 5 : i64, tpu.core_type = #tpu.core_type<sc_vector_subcore>, window_params = [{transform_indices = #map}, {transform_indices = #map1}, {transform_indices = #map1}, {transform_indices = #map1}, {transform_indices = #map1}]} {
    %mul3A = arith.constant 2 : i32
    %mul3A_0 = arith.muli %arg1, %mul3A : i32
    %add3A = arith.addi %mul3A_0, %arg0 : i32
    %mul3A_1 = arith.constant 1024 : i32
    %mul3A_2 = arith.muli %add3A, %mul3A_1 : i32
    %run_scoped3A = arith.constant 0 : i32
    "tpu.region"() ({
      %run_scoped3A_15 = tpu.sem_alloc : memref<!tpu.dma_semaphore, #tpu.memory_space<semaphore_mem>>
      %dma_start3A = arith.constant 0 : i32
      %dma_start3A_16 = tpu.memref_slice %arg7[%dma_start3A] : memref<8192xf32, #tpu.memory_space<vmem>> -> memref<1024xf32, #tpu.memory_space<vmem>>
      %dma_start3A_17 = tpu.memref_slice %arg2[%run_scoped3A, %mul3A_2] : memref<8x32768xf32, #tpu.memory_space<hbm>> -> memref<1x1024xf32, #tpu.memory_space<hbm>>
      %dma_start3A_18 = tpu.memref_squeeze %dma_start3A_17 : memref<1x1024xf32, #tpu.memory_space<hbm>> -> memref<1024xf32, #tpu.memory_space<hbm>>
      %dma_start3A_19 = arith.constant 0 : i32
      %dma_start3A_20 = tpu.memref_slice %arg7[%dma_start3A_19] : memref<8192xf32, #tpu.memory_space<vmem>> -> memref<1024xf32, #tpu.memory_space<vmem>>
      %dma_start3A_21 = tpu.memref_slice %arg2[%run_scoped3A, %mul3A_2] : memref<8x32768xf32, #tpu.memory_space<hbm>> -> memref<1x1024xf32, #tpu.memory_space<hbm>>
      %dma_start3A_22 = tpu.memref_squeeze %dma_start3A_21 : memref<1x1024xf32, #tpu.memory_space<hbm>> -> memref<1024xf32, #tpu.memory_space<hbm>>
      tpu.enqueue_dma source(%dma_start3A_22 : memref<1024xf32, #tpu.memory_space<hbm>>) target(%dma_start3A_20 : memref<1024xf32, #tpu.memory_space<vmem>>) target_semaphore(%run_scoped3A_15 : memref<!tpu.dma_semaphore, #tpu.memory_space<semaphore_mem>>)
      %dma_wait3A = arith.constant 0 : i32
      %dma_wait3A_23 = tpu.memref_slice %arg7[%dma_wait3A] : memref<8192xf32, #tpu.memory_space<vmem>> -> memref<1024xf32, #tpu.memory_space<vmem>>
      %dma_wait3A_24 = tpu.memref_slice %arg2[%run_scoped3A, %mul3A_2] : memref<8x32768xf32, #tpu.memory_space<hbm>> -> memref<1x1024xf32, #tpu.memory_space<hbm>>
      %dma_wait3A_25 = tpu.memref_squeeze %dma_wait3A_24 : memref<1x1024xf32, #tpu.memory_space<hbm>> -> memref<1024xf32, #tpu.memory_space<hbm>>
      %dma_wait3A_26 = arith.constant 0 : i32
      %dma_wait3A_27 = tpu.memref_slice %arg7[%dma_wait3A_26] : memref<8192xf32, #tpu.memory_space<vmem>> -> memref<1024xf32, #tpu.memory_space<vmem>>
      %dma_wait3A_28 = tpu.memref_slice %arg2[%run_scoped3A, %mul3A_2] : memref<8x32768xf32, #tpu.memory_space<hbm>> -> memref<1x1024xf32, #tpu.memory_space<hbm>>
      %dma_wait3A_29 = tpu.memref_squeeze %dma_wait3A_28 : memref<1x1024xf32, #tpu.memory_space<hbm>> -> memref<1024xf32, #tpu.memory_space<hbm>>
      tpu.wait_dma2 semaphore(%run_scoped3A_15 : memref<!tpu.dma_semaphore, #tpu.memory_space<semaphore_mem>>) src(%dma_wait3A_29 : memref<1024xf32, #tpu.memory_space<hbm>>) dst(%dma_wait3A_27 : memref<1024xf32, #tpu.memory_space<vmem>>)
      tpu.yield
    }) : () -> ()
    %run_scoped3A_3 = arith.constant 1 : i32
    "tpu.region"() ({
      %run_scoped3A_15 = tpu.sem_alloc : memref<!tpu.dma_semaphore, #tpu.memory_space<semaphore_mem>>
      %dma_start3A = arith.constant 1024 : i32
      %dma_start3A_16 = tpu.memref_slice %arg7[%dma_start3A] : memref<8192xf32, #tpu.memory_space<vmem>> -> memref<1024xf32, #tpu.memory_space<vmem>>
      %dma_start3A_17 = tpu.memref_slice %arg2[%run_scoped3A_3, %mul3A_2] : memref<8x32768xf32, #tpu.memory_space<hbm>> -> memref<1x1024xf32, #tpu.memory_space<hbm>>
      %dma_start3A_18 = tpu.memref_squeeze %dma_start3A_17 : memref<1x1024xf32, #tpu.memory_space<hbm>> -> memref<1024xf32, #tpu.memory_space<hbm>>
      %dma_start3A_19 = arith.constant 1024 : i32
      %dma_start3A_20 = tpu.memref_slice %arg7[%dma_start3A_19] : memref<8192xf32, #tpu.memory_space<vmem>> -> memref<1024xf32, #tpu.memory_space<vmem>>
      %dma_start3A_21 = tpu.memref_slice %arg2[%run_scoped3A_3, %mul3A_2] : memref<8x32768xf32, #tpu.memory_space<hbm>> -> memref<1x1024xf32, #tpu.memory_space<hbm>>
      %dma_start3A_22 = tpu.memref_squeeze %dma_start3A_21 : memref<1x1024xf32, #tpu.memory_space<hbm>> -> memref<1024xf32, #tpu.memory_space<hbm>>
      tpu.enqueue_dma source(%dma_start3A_22 : memref<1024xf32, #tpu.memory_space<hbm>>) target(%dma_start3A_20 : memref<1024xf32, #tpu.memory_space<vmem>>) target_semaphore(%run_scoped3A_15 : memref<!tpu.dma_semaphore, #tpu.memory_space<semaphore_mem>>)
      %dma_wait3A = arith.constant 1024 : i32
      %dma_wait3A_23 = tpu.memref_slice %arg7[%dma_wait3A] : memref<8192xf32, #tpu.memory_space<vmem>> -> memref<1024xf32, #tpu.memory_space<vmem>>
      %dma_wait3A_24 = tpu.memref_slice %arg2[%run_scoped3A_3, %mul3A_2] : memref<8x32768xf32, #tpu.memory_space<hbm>> -> memref<1x1024xf32, #tpu.memory_space<hbm>>
      %dma_wait3A_25 = tpu.memref_squeeze %dma_wait3A_24 : memref<1x1024xf32, #tpu.memory_space<hbm>> -> memref<1024xf32, #tpu.memory_space<hbm>>
      %dma_wait3A_26 = arith.constant 1024 : i32
      %dma_wait3A_27 = tpu.memref_slice %arg7[%dma_wait3A_26] : memref<8192xf32, #tpu.memory_space<vmem>> -> memref<1024xf32, #tpu.memory_space<vmem>>
      %dma_wait3A_28 = tpu.memref_slice %arg2[%run_scoped3A_3, %mul3A_2] : memref<8x32768xf32, #tpu.memory_space<hbm>> -> memref<1x1024xf32, #tpu.memory_space<hbm>>
      %dma_wait3A_29 = tpu.memref_squeeze %dma_wait3A_28 : memref<1x1024xf32, #tpu.memory_space<hbm>> -> memref<1024xf32, #tpu.memory_space<hbm>>
      tpu.wait_dma2 semaphore(%run_scoped3A_15 : memref<!tpu.dma_semaphore, #tpu.memory_space<semaphore_mem>>) src(%dma_wait3A_29 : memref<1024xf32, #tpu.memory_space<hbm>>) dst(%dma_wait3A_27 : memref<1024xf32, #tpu.memory_space<vmem>>)
      tpu.yield
    }) : () -> ()
    %run_scoped3A_4 = arith.constant 2 : i32
    "tpu.region"() ({
      %run_scoped3A_15 = tpu.sem_alloc : memref<!tpu.dma_semaphore, #tpu.memory_space<semaphore_mem>>
      %dma_start3A = arith.constant 2048 : i32
      %dma_start3A_16 = tpu.memref_slice %arg7[%dma_start3A] : memref<8192xf32, #tpu.memory_space<vmem>> -> memref<1024xf32, #tpu.memory_space<vmem>>
      %dma_start3A_17 = tpu.memref_slice %arg2[%run_scoped3A_4, %mul3A_2] : memref<8x32768xf32, #tpu.memory_space<hbm>> -> memref<1x1024xf32, #tpu.memory_space<hbm>>
      %dma_start3A_18 = tpu.memref_squeeze %dma_start3A_17 : memref<1x1024xf32, #tpu.memory_space<hbm>> -> memref<1024xf32, #tpu.memory_space<hbm>>
      %dma_start3A_19 = arith.constant 2048 : i32
      %dma_start3A_20 = tpu.memref_slice %arg7[%dma_start3A_19] : memref<8192xf32, #tpu.memory_space<vmem>> -> memref<1024xf32, #tpu.memory_space<vmem>>
      %dma_start3A_21 = tpu.memref_slice %arg2[%run_scoped3A_4, %mul3A_2] : memref<8x32768xf32, #tpu.memory_space<hbm>> -> memref<1x1024xf32, #tpu.memory_space<hbm>>
      %dma_start3A_22 = tpu.memref_squeeze %dma_start3A_21 : memref<1x1024xf32, #tpu.memory_space<hbm>> -> memref<1024xf32, #tpu.memory_space<hbm>>
      tpu.enqueue_dma source(%dma_start3A_22 : memref<1024xf32, #tpu.memory_space<hbm>>) target(%dma_start3A_20 : memref<1024xf32, #tpu.memory_space<vmem>>) target_semaphore(%run_scoped3A_15 : memref<!tpu.dma_semaphore, #tpu.memory_space<semaphore_mem>>)
      %dma_wait3A = arith.constant 2048 : i32
      %dma_wait3A_23 = tpu.memref_slice %arg7[%dma_wait3A] : memref<8192xf32, #tpu.memory_space<vmem>> -> memref<1024xf32, #tpu.memory_space<vmem>>
      %dma_wait3A_24 = tpu.memref_slice %arg2[%run_scoped3A_4, %mul3A_2] : memref<8x32768xf32, #tpu.memory_space<hbm>> -> memref<1x1024xf32, #tpu.memory_space<hbm>>
      %dma_wait3A_25 = tpu.memref_squeeze %dma_wait3A_24 : memref<1x1024xf32, #tpu.memory_space<hbm>> -> memref<1024xf32, #tpu.memory_space<hbm>>
      %dma_wait3A_26 = arith.constant 2048 : i32
      %dma_wait3A_27 = tpu.memref_slice %arg7[%dma_wait3A_26] : memref<8192xf32, #tpu.memory_space<vmem>> -> memref<1024xf32, #tpu.memory_space<vmem>>
      %dma_wait3A_28 = tpu.memref_slice %arg2[%run_scoped3A_4, %mul3A_2] : memref<8x32768xf32, #tpu.memory_space<hbm>> -> memref<1x1024xf32, #tpu.memory_space<hbm>>
      %dma_wait3A_29 = tpu.memref_squeeze %dma_wait3A_28 : memref<1x1024xf32, #tpu.memory_space<hbm>> -> memref<1024xf32, #tpu.memory_space<hbm>>
      tpu.wait_dma2 semaphore(%run_scoped3A_15 : memref<!tpu.dma_semaphore, #tpu.memory_space<semaphore_mem>>) src(%dma_wait3A_29 : memref<1024xf32, #tpu.memory_space<hbm>>) dst(%dma_wait3A_27 : memref<1024xf32, #tpu.memory_space<vmem>>)
      tpu.yield
    }) : () -> ()
    %run_scoped3A_5 = arith.constant 3 : i32
    "tpu.region"() ({
      %run_scoped3A_15 = tpu.sem_alloc : memref<!tpu.dma_semaphore, #tpu.memory_space<semaphore_mem>>
      %dma_start3A = arith.constant 3072 : i32
      %dma_start3A_16 = tpu.memref_slice %arg7[%dma_start3A] : memref<8192xf32, #tpu.memory_space<vmem>> -> memref<1024xf32, #tpu.memory_space<vmem>>
      %dma_start3A_17 = tpu.memref_slice %arg2[%run_scoped3A_5, %mul3A_2] : memref<8x32768xf32, #tpu.memory_space<hbm>> -> memref<1x1024xf32, #tpu.memory_space<hbm>>
      %dma_start3A_18 = tpu.memref_squeeze %dma_start3A_17 : memref<1x1024xf32, #tpu.memory_space<hbm>> -> memref<1024xf32, #tpu.memory_space<hbm>>
      %dma_start3A_19 = arith.constant 3072 : i32
      %dma_start3A_20 = tpu.memref_slice %arg7[%dma_start3A_19] : memref<8192xf32, #tpu.memory_space<vmem>> -> memref<1024xf32, #tpu.memory_space<vmem>>
      %dma_start3A_21 = tpu.memref_slice %arg2[%run_scoped3A_5, %mul3A_2] : memref<8x32768xf32, #tpu.memory_space<hbm>> -> memref<1x1024xf32, #tpu.memory_space<hbm>>
      %dma_start3A_22 = tpu.memref_squeeze %dma_start3A_21 : memref<1x1024xf32, #tpu.memory_space<hbm>> -> memref<1024xf32, #tpu.memory_space<hbm>>
      tpu.enqueue_dma source(%dma_start3A_22 : memref<1024xf32, #tpu.memory_space<hbm>>) target(%dma_start3A_20 : memref<1024xf32, #tpu.memory_space<vmem>>) target_semaphore(%run_scoped3A_15 : memref<!tpu.dma_semaphore, #tpu.memory_space<semaphore_mem>>)
      %dma_wait3A = arith.constant 3072 : i32
      %dma_wait3A_23 = tpu.memref_slice %arg7[%dma_wait3A] : memref<8192xf32, #tpu.memory_space<vmem>> -> memref<1024xf32, #tpu.memory_space<vmem>>
      %dma_wait3A_24 = tpu.memref_slice %arg2[%run_scoped3A_5, %mul3A_2] : memref<8x32768xf32, #tpu.memory_space<hbm>> -> memref<1x1024xf32, #tpu.memory_space<hbm>>
      %dma_wait3A_25 = tpu.memref_squeeze %dma_wait3A_24 : memref<1x1024xf32, #tpu.memory_space<hbm>> -> memref<1024xf32, #tpu.memory_space<hbm>>
      %dma_wait3A_26 = arith.constant 3072 : i32
      %dma_wait3A_27 = tpu.memref_slice %arg7[%dma_wait3A_26] : memref<8192xf32, #tpu.memory_space<vmem>> -> memref<1024xf32, #tpu.memory_space<vmem>>
      %dma_wait3A_28 = tpu.memref_slice %arg2[%run_scoped3A_5, %mul3A_2] : memref<8x32768xf32, #tpu.memory_space<hbm>> -> memref<1x1024xf32, #tpu.memory_space<hbm>>
      %dma_wait3A_29 = tpu.memref_squeeze %dma_wait3A_28 : memref<1x1024xf32, #tpu.memory_space<hbm>> -> memref<1024xf32, #tpu.memory_space<hbm>>
      tpu.wait_dma2 semaphore(%run_scoped3A_15 : memref<!tpu.dma_semaphore, #tpu.memory_space<semaphore_mem>>) src(%dma_wait3A_29 : memref<1024xf32, #tpu.memory_space<hbm>>) dst(%dma_wait3A_27 : memref<1024xf32, #tpu.memory_space<vmem>>)
      tpu.yield
    }) : () -> ()
    %run_scoped3A_6 = arith.constant 4 : i32
    "tpu.region"() ({
      %run_scoped3A_15 = tpu.sem_alloc : memref<!tpu.dma_semaphore, #tpu.memory_space<semaphore_mem>>
      %dma_start3A = arith.constant 4096 : i32
      %dma_start3A_16 = tpu.memref_slice %arg7[%dma_start3A] : memref<8192xf32, #tpu.memory_space<vmem>> -> memref<1024xf32, #tpu.memory_space<vmem>>
      %dma_start3A_17 = tpu.memref_slice %arg2[%run_scoped3A_6, %mul3A_2] : memref<8x32768xf32, #tpu.memory_space<hbm>> -> memref<1x1024xf32, #tpu.memory_space<hbm>>
      %dma_start3A_18 = tpu.memref_squeeze %dma_start3A_17 : memref<1x1024xf32, #tpu.memory_space<hbm>> -> memref<1024xf32, #tpu.memory_space<hbm>>
      %dma_start3A_19 = arith.constant 4096 : i32
      %dma_start3A_20 = tpu.memref_slice %arg7[%dma_start3A_19] : memref<8192xf32, #tpu.memory_space<vmem>> -> memref<1024xf32, #tpu.memory_space<vmem>>
      %dma_start3A_21 = tpu.memref_slice %arg2[%run_scoped3A_6, %mul3A_2] : memref<8x32768xf32, #tpu.memory_space<hbm>> -> memref<1x1024xf32, #tpu.memory_space<hbm>>
      %dma_start3A_22 = tpu.memref_squeeze %dma_start3A_21 : memref<1x1024xf32, #tpu.memory_space<hbm>> -> memref<1024xf32, #tpu.memory_space<hbm>>
      tpu.enqueue_dma source(%dma_start3A_22 : memref<1024xf32, #tpu.memory_space<hbm>>) target(%dma_start3A_20 : memref<1024xf32, #tpu.memory_space<vmem>>) target_semaphore(%run_scoped3A_15 : memref<!tpu.dma_semaphore, #tpu.memory_space<semaphore_mem>>)
      %dma_wait3A = arith.constant 4096 : i32
      %dma_wait3A_23 = tpu.memref_slice %arg7[%dma_wait3A] : memref<8192xf32, #tpu.memory_space<vmem>> -> memref<1024xf32, #tpu.memory_space<vmem>>
      %dma_wait3A_24 = tpu.memref_slice %arg2[%run_scoped3A_6, %mul3A_2] : memref<8x32768xf32, #tpu.memory_space<hbm>> -> memref<1x1024xf32, #tpu.memory_space<hbm>>
      %dma_wait3A_25 = tpu.memref_squeeze %dma_wait3A_24 : memref<1x1024xf32, #tpu.memory_space<hbm>> -> memref<1024xf32, #tpu.memory_space<hbm>>
      %dma_wait3A_26 = arith.constant 4096 : i32
      %dma_wait3A_27 = tpu.memref_slice %arg7[%dma_wait3A_26] : memref<8192xf32, #tpu.memory_space<vmem>> -> memref<1024xf32, #tpu.memory_space<vmem>>
      %dma_wait3A_28 = tpu.memref_slice %arg2[%run_scoped3A_6, %mul3A_2] : memref<8x32768xf32, #tpu.memory_space<hbm>> -> memref<1x1024xf32, #tpu.memory_space<hbm>>
      %dma_wait3A_29 = tpu.memref_squeeze %dma_wait3A_28 : memref<1x1024xf32, #tpu.memory_space<hbm>> -> memref<1024xf32, #tpu.memory_space<hbm>>
      tpu.wait_dma2 semaphore(%run_scoped3A_15 : memref<!tpu.dma_semaphore, #tpu.memory_space<semaphore_mem>>) src(%dma_wait3A_29 : memref<1024xf32, #tpu.memory_space<hbm>>) dst(%dma_wait3A_27 : memref<1024xf32, #tpu.memory_space<vmem>>)
      tpu.yield
    }) : () -> ()
    %run_scoped3A_7 = arith.constant 5 : i32
    "tpu.region"() ({
      %run_scoped3A_15 = tpu.sem_alloc : memref<!tpu.dma_semaphore, #tpu.memory_space<semaphore_mem>>
      %dma_start3A = arith.constant 5120 : i32
      %dma_start3A_16 = tpu.memref_slice %arg7[%dma_start3A] : memref<8192xf32, #tpu.memory_space<vmem>> -> memref<1024xf32, #tpu.memory_space<vmem>>
      %dma_start3A_17 = tpu.memref_slice %arg2[%run_scoped3A_7, %mul3A_2] : memref<8x32768xf32, #tpu.memory_space<hbm>> -> memref<1x1024xf32, #tpu.memory_space<hbm>>
      %dma_start3A_18 = tpu.memref_squeeze %dma_start3A_17 : memref<1x1024xf32, #tpu.memory_space<hbm>> -> memref<1024xf32, #tpu.memory_space<hbm>>
      %dma_start3A_19 = arith.constant 5120 : i32
      %dma_start3A_20 = tpu.memref_slice %arg7[%dma_start3A_19] : memref<8192xf32, #tpu.memory_space<vmem>> -> memref<1024xf32, #tpu.memory_space<vmem>>
      %dma_start3A_21 = tpu.memref_slice %arg2[%run_scoped3A_7, %mul3A_2] : memref<8x32768xf32, #tpu.memory_space<hbm>> -> memref<1x1024xf32, #tpu.memory_space<hbm>>
      %dma_start3A_22 = tpu.memref_squeeze %dma_start3A_21 : memref<1x1024xf32, #tpu.memory_space<hbm>> -> memref<1024xf32, #tpu.memory_space<hbm>>
      tpu.enqueue_dma source(%dma_start3A_22 : memref<1024xf32, #tpu.memory_space<hbm>>) target(%dma_start3A_20 : memref<1024xf32, #tpu.memory_space<vmem>>) target_semaphore(%run_scoped3A_15 : memref<!tpu.dma_semaphore, #tpu.memory_space<semaphore_mem>>)
      %dma_wait3A = arith.constant 5120 : i32
      %dma_wait3A_23 = tpu.memref_slice %arg7[%dma_wait3A] : memref<8192xf32, #tpu.memory_space<vmem>> -> memref<1024xf32, #tpu.memory_space<vmem>>
      %dma_wait3A_24 = tpu.memref_slice %arg2[%run_scoped3A_7, %mul3A_2] : memref<8x32768xf32, #tpu.memory_space<hbm>> -> memref<1x1024xf32, #tpu.memory_space<hbm>>
      %dma_wait3A_25 = tpu.memref_squeeze %dma_wait3A_24 : memref<1x1024xf32, #tpu.memory_space<hbm>> -> memref<1024xf32, #tpu.memory_space<hbm>>
      %dma_wait3A_26 = arith.constant 5120 : i32
      %dma_wait3A_27 = tpu.memref_slice %arg7[%dma_wait3A_26] : memref<8192xf32, #tpu.memory_space<vmem>> -> memref<1024xf32, #tpu.memory_space<vmem>>
      %dma_wait3A_28 = tpu.memref_slice %arg2[%run_scoped3A_7, %mul3A_2] : memref<8x32768xf32, #tpu.memory_space<hbm>> -> memref<1x1024xf32, #tpu.memory_space<hbm>>
      %dma_wait3A_29 = tpu.memref_squeeze %dma_wait3A_28 : memref<1x1024xf32, #tpu.memory_space<hbm>> -> memref<1024xf32, #tpu.memory_space<hbm>>
      tpu.wait_dma2 semaphore(%run_scoped3A_15 : memref<!tpu.dma_semaphore, #tpu.memory_space<semaphore_mem>>) src(%dma_wait3A_29 : memref<1024xf32, #tpu.memory_space<hbm>>) dst(%dma_wait3A_27 : memref<1024xf32, #tpu.memory_space<vmem>>)
      tpu.yield
    }) : () -> ()
    %run_scoped3A_8 = arith.constant 6 : i32
    "tpu.region"() ({
      %run_scoped3A_15 = tpu.sem_alloc : memref<!tpu.dma_semaphore, #tpu.memory_space<semaphore_mem>>
      %dma_start3A = arith.constant 6144 : i32
      %dma_start3A_16 = tpu.memref_slice %arg7[%dma_start3A] : memref<8192xf32, #tpu.memory_space<vmem>> -> memref<1024xf32, #tpu.memory_space<vmem>>
      %dma_start3A_17 = tpu.memref_slice %arg2[%run_scoped3A_8, %mul3A_2] : memref<8x32768xf32, #tpu.memory_space<hbm>> -> memref<1x1024xf32, #tpu.memory_space<hbm>>
      %dma_start3A_18 = tpu.memref_squeeze %dma_start3A_17 : memref<1x1024xf32, #tpu.memory_space<hbm>> -> memref<1024xf32, #tpu.memory_space<hbm>>
      %dma_start3A_19 = arith.constant 6144 : i32
      %dma_start3A_20 = tpu.memref_slice %arg7[%dma_start3A_19] : memref<8192xf32, #tpu.memory_space<vmem>> -> memref<1024xf32, #tpu.memory_space<vmem>>
      %dma_start3A_21 = tpu.memref_slice %arg2[%run_scoped3A_8, %mul3A_2] : memref<8x32768xf32, #tpu.memory_space<hbm>> -> memref<1x1024xf32, #tpu.memory_space<hbm>>
      %dma_start3A_22 = tpu.memref_squeeze %dma_start3A_21 : memref<1x1024xf32, #tpu.memory_space<hbm>> -> memref<1024xf32, #tpu.memory_space<hbm>>
      tpu.enqueue_dma source(%dma_start3A_22 : memref<1024xf32, #tpu.memory_space<hbm>>) target(%dma_start3A_20 : memref<1024xf32, #tpu.memory_space<vmem>>) target_semaphore(%run_scoped3A_15 : memref<!tpu.dma_semaphore, #tpu.memory_space<semaphore_mem>>)
      %dma_wait3A = arith.constant 6144 : i32
      %dma_wait3A_23 = tpu.memref_slice %arg7[%dma_wait3A] : memref<8192xf32, #tpu.memory_space<vmem>> -> memref<1024xf32, #tpu.memory_space<vmem>>
      %dma_wait3A_24 = tpu.memref_slice %arg2[%run_scoped3A_8, %mul3A_2] : memref<8x32768xf32, #tpu.memory_space<hbm>> -> memref<1x1024xf32, #tpu.memory_space<hbm>>
      %dma_wait3A_25 = tpu.memref_squeeze %dma_wait3A_24 : memref<1x1024xf32, #tpu.memory_space<hbm>> -> memref<1024xf32, #tpu.memory_space<hbm>>
      %dma_wait3A_26 = arith.constant 6144 : i32
      %dma_wait3A_27 = tpu.memref_slice %arg7[%dma_wait3A_26] : memref<8192xf32, #tpu.memory_space<vmem>> -> memref<1024xf32, #tpu.memory_space<vmem>>
      %dma_wait3A_28 = tpu.memref_slice %arg2[%run_scoped3A_8, %mul3A_2] : memref<8x32768xf32, #tpu.memory_space<hbm>> -> memref<1x1024xf32, #tpu.memory_space<hbm>>
      %dma_wait3A_29 = tpu.memref_squeeze %dma_wait3A_28 : memref<1x1024xf32, #tpu.memory_space<hbm>> -> memref<1024xf32, #tpu.memory_space<hbm>>
      tpu.wait_dma2 semaphore(%run_scoped3A_15 : memref<!tpu.dma_semaphore, #tpu.memory_space<semaphore_mem>>) src(%dma_wait3A_29 : memref<1024xf32, #tpu.memory_space<hbm>>) dst(%dma_wait3A_27 : memref<1024xf32, #tpu.memory_space<vmem>>)
      tpu.yield
    }) : () -> ()
    %run_scoped3A_9 = arith.constant 7 : i32
    "tpu.region"() ({
      %run_scoped3A_15 = tpu.sem_alloc : memref<!tpu.dma_semaphore, #tpu.memory_space<semaphore_mem>>
      %dma_start3A = arith.constant 7168 : i32
      %dma_start3A_16 = tpu.memref_slice %arg7[%dma_start3A] : memref<8192xf32, #tpu.memory_space<vmem>> -> memref<1024xf32, #tpu.memory_space<vmem>>
      %dma_start3A_17 = tpu.memref_slice %arg2[%run_scoped3A_9, %mul3A_2] : memref<8x32768xf32, #tpu.memory_space<hbm>> -> memref<1x1024xf32, #tpu.memory_space<hbm>>
      %dma_start3A_18 = tpu.memref_squeeze %dma_start3A_17 : memref<1x1024xf32, #tpu.memory_space<hbm>> -> memref<1024xf32, #tpu.memory_space<hbm>>
      %dma_start3A_19 = arith.constant 7168 : i32
      %dma_start3A_20 = tpu.memref_slice %arg7[%dma_start3A_19] : memref<8192xf32, #tpu.memory_space<vmem>> -> memref<1024xf32, #tpu.memory_space<vmem>>
      %dma_start3A_21 = tpu.memref_slice %arg2[%run_scoped3A_9, %mul3A_2] : memref<8x32768xf32, #tpu.memory_space<hbm>> -> memref<1x1024xf32, #tpu.memory_space<hbm>>
      %dma_start3A_22 = tpu.memref_squeeze %dma_start3A_21 : memref<1x1024xf32, #tpu.memory_space<hbm>> -> memref<1024xf32, #tpu.memory_space<hbm>>
      tpu.enqueue_dma source(%dma_start3A_22 : memref<1024xf32, #tpu.memory_space<hbm>>) target(%dma_start3A_20 : memref<1024xf32, #tpu.memory_space<vmem>>) target_semaphore(%run_scoped3A_15 : memref<!tpu.dma_semaphore, #tpu.memory_space<semaphore_mem>>)
      %dma_wait3A = arith.constant 7168 : i32
      %dma_wait3A_23 = tpu.memref_slice %arg7[%dma_wait3A] : memref<8192xf32, #tpu.memory_space<vmem>> -> memref<1024xf32, #tpu.memory_space<vmem>>
      %dma_wait3A_24 = tpu.memref_slice %arg2[%run_scoped3A_9, %mul3A_2] : memref<8x32768xf32, #tpu.memory_space<hbm>> -> memref<1x1024xf32, #tpu.memory_space<hbm>>
      %dma_wait3A_25 = tpu.memref_squeeze %dma_wait3A_24 : memref<1x1024xf32, #tpu.memory_space<hbm>> -> memref<1024xf32, #tpu.memory_space<hbm>>
      %dma_wait3A_26 = arith.constant 7168 : i32
      %dma_wait3A_27 = tpu.memref_slice %arg7[%dma_wait3A_26] : memref<8192xf32, #tpu.memory_space<vmem>> -> memref<1024xf32, #tpu.memory_space<vmem>>
      %dma_wait3A_28 = tpu.memref_slice %arg2[%run_scoped3A_9, %mul3A_2] : memref<8x32768xf32, #tpu.memory_space<hbm>> -> memref<1x1024xf32, #tpu.memory_space<hbm>>
      %dma_wait3A_29 = tpu.memref_squeeze %dma_wait3A_28 : memref<1x1024xf32, #tpu.memory_space<hbm>> -> memref<1024xf32, #tpu.memory_space<hbm>>
      tpu.wait_dma2 semaphore(%run_scoped3A_15 : memref<!tpu.dma_semaphore, #tpu.memory_space<semaphore_mem>>) src(%dma_wait3A_29 : memref<1024xf32, #tpu.memory_space<hbm>>) dst(%dma_wait3A_27 : memref<1024xf32, #tpu.memory_space<vmem>>)
      tpu.yield
    }) : () -> ()
    %scan3A = arith.constant 0 : i32
    %scan3A_10 = arith.constant 0 : i32
    %scan3A_11 = arith.constant 64 : i32
    %scan3A_12 = arith.addi %scan3A_10, %scan3A_11 : i32
    %scan3A_13 = arith.constant 1 : i32
    scf.for %scan3A_15 = %scan3A_10 to %scan3A_12 step %scan3A_13  : i32 {
      %mul3A_16 = arith.constant 16 : i32
      %mul3A_17 = arith.muli %scan3A_15, %mul3A_16 : i32
      %add3A_18 = arith.constant 0 : i32
      %add3A_19 = arith.addi %add3A_18, %mul3A_17 : i32
      %get3A = arith.index_cast %add3A_19 : i32 to index
      %get3A_20 = tpu.vector_load %arg7[%get3A] {strides = array<i32>} : memref<8192xf32, #tpu.memory_space<vmem>>, vector<16xf32>,
      %get3A_21 = vector.shape_cast %get3A_20 : vector<16xf32> to vector<16xf32>
      %add3A_22 = arith.constant 1024 : i32
      %add3A_23 = arith.addi %add3A_22, %mul3A_17 : i32
      %get3A_24 = arith.index_cast %add3A_23 : i32 to index
      %get3A_25 = tpu.vector_load %arg7[%get3A_24] {strides = array<i32>} : memref<8192xf32, #tpu.memory_space<vmem>>, vector<16xf32>,
      %get3A_26 = vector.shape_cast %get3A_25 : vector<16xf32> to vector<16xf32>
      %add3A_27 = arith.constant 2048 : i32
      %add3A_28 = arith.addi %add3A_27, %mul3A_17 : i32
      %get3A_29 = arith.index_cast %add3A_28 : i32 to index
      %get3A_30 = tpu.vector_load %arg7[%get3A_29] {strides = array<i32>} : memref<8192xf32, #tpu.memory_space<vmem>>, vector<16xf32>,
      %get3A_31 = vector.shape_cast %get3A_30 : vector<16xf32> to vector<16xf32>
      %add3A_32 = arith.constant 3072 : i32
      %add3A_33 = arith.addi %add3A_32, %mul3A_17 : i32
      %get3A_34 = arith.index_cast %add3A_33 : i32 to index
      %get3A_35 = tpu.vector_load %arg7[%get3A_34] {strides = array<i32>} : memref<8192xf32, #tpu.memory_space<vmem>>, vector<16xf32>,
      %get3A_36 = vector.shape_cast %get3A_35 : vector<16xf32> to vector<16xf32>
      %add3A_37 = arith.constant 4096 : i32
      %add3A_38 = arith.addi %add3A_37, %mul3A_17 : i32
      %get3A_39 = arith.index_cast %add3A_38 : i32 to index
      %get3A_40 = tpu.vector_load %arg7[%get3A_39] {strides = array<i32>} : memref<8192xf32, #tpu.memory_space<vmem>>, vector<16xf32>,
      %get3A_41 = vector.shape_cast %get3A_40 : vector<16xf32> to vector<16xf32>
      %add3A_42 = arith.constant 5120 : i32
      %add3A_43 = arith.addi %add3A_42, %mul3A_17 : i32
      %get3A_44 = arith.index_cast %add3A_43 : i32 to index
      %get3A_45 = tpu.vector_load %arg7[%get3A_44] {strides = array<i32>} : memref<8192xf32, #tpu.memory_space<vmem>>, vector<16xf32>,
      %get3A_46 = vector.shape_cast %get3A_45 : vector<16xf32> to vector<16xf32>
      %add3A_47 = arith.constant 6144 : i32
      %add3A_48 = arith.addi %add3A_47, %mul3A_17 : i32
      %get3A_49 = arith.index_cast %add3A_48 : i32 to index
      %get3A_50 = tpu.vector_load %arg7[%get3A_49] {strides = array<i32>} : memref<8192xf32, #tpu.memory_space<vmem>>, vector<16xf32>,
      %get3A_51 = vector.shape_cast %get3A_50 : vector<16xf32> to vector<16xf32>
      %add3A_52 = arith.constant 7168 : i32
      %add3A_53 = arith.addi %add3A_52, %mul3A_17 : i32
      %get3A_54 = arith.index_cast %add3A_53 : i32 to index
      %get3A_55 = tpu.vector_load %arg7[%get3A_54] {strides = array<i32>} : memref<8192xf32, #tpu.memory_space<vmem>>, vector<16xf32>,
      %get3A_56 = vector.shape_cast %get3A_55 : vector<16xf32> to vector<16xf32>
      %broadcast_in_dim3A = arith.constant 0 : i32
      %broadcast_in_dim3A_57 = vector.broadcast %broadcast_in_dim3A : i32 to vector<16xi32>
      %broadcast_in_dim3A_58 = arith.constant 0xFF800000 : f32
      %broadcast_in_dim3A_59 = vector.broadcast %broadcast_in_dim3A_58 : f32 to vector<16xf32>
      %broadcast_in_dim3A_60 = arith.constant 0 : i32
      %broadcast_in_dim3A_61 = vector.broadcast %broadcast_in_dim3A_60 : i32 to vector<16xi32>
      %broadcast_in_dim3A_62 = arith.constant 1 : i32
      %broadcast_in_dim3A_63 = vector.broadcast %broadcast_in_dim3A_62 : i32 to vector<16xi32>
      %gt3A = arith.cmpf ogt, %get3A_26, %get3A_21 : vector<16xf32>
      %gt3A_64 = arith.cmpf ogt, %get3A_26, %broadcast_in_dim3A_59 : vector<16xf32>
      %select_n3A = arith.select %gt3A_64, %get3A_26, %broadcast_in_dim3A_59 : vector<16xi1>, vector<16xf32>
      %select_n3A_65 = arith.select %gt3A, %get3A_21, %select_n3A : vector<16xi1>, vector<16xf32>
      %select_n3A_66 = arith.select %gt3A_64, %broadcast_in_dim3A_63, %broadcast_in_dim3A_61 : vector<16xi1>, vector<16xi32>
      %select_n3A_67 = arith.select %gt3A, %broadcast_in_dim3A_57, %select_n3A_66 : vector<16xi1>, vector<16xi32>
      %select_n3A_68 = arith.select %gt3A, %get3A_26, %get3A_21 : vector<16xi1>, vector<16xf32>
      %select_n3A_69 = arith.select %gt3A, %broadcast_in_dim3A_63, %broadcast_in_dim3A_57 : vector<16xi1>, vector<16xi32>
      %broadcast_in_dim3A_70 = arith.constant 2 : i32
      %broadcast_in_dim3A_71 = vector.broadcast %broadcast_in_dim3A_70 : i32 to vector<16xi32>
      %gt3A_72 = arith.cmpf ogt, %get3A_31, %select_n3A_68 : vector<16xf32>
      %gt3A_73 = arith.cmpf ogt, %get3A_31, %select_n3A_65 : vector<16xf32>
      %select_n3A_74 = arith.select %gt3A_73, %get3A_31, %select_n3A_65 : vector<16xi1>, vector<16xf32>
      %select_n3A_75 = arith.select %gt3A_72, %select_n3A_68, %select_n3A_74 : vector<16xi1>, vector<16xf32>
      %select_n3A_76 = arith.select %gt3A_73, %broadcast_in_dim3A_71, %select_n3A_67 : vector<16xi1>, vector<16xi32>
      %select_n3A_77 = arith.select %gt3A_72, %select_n3A_69, %select_n3A_76 : vector<16xi1>, vector<16xi32>
      %select_n3A_78 = arith.select %gt3A_72, %get3A_31, %select_n3A_68 : vector<16xi1>, vector<16xf32>
      %select_n3A_79 = arith.select %gt3A_72, %broadcast_in_dim3A_71, %select_n3A_69 : vector<16xi1>, vector<16xi32>
      %broadcast_in_dim3A_80 = arith.constant 3 : i32
      %broadcast_in_dim3A_81 = vector.broadcast %broadcast_in_dim3A_80 : i32 to vector<16xi32>
      %gt3A_82 = arith.cmpf ogt, %get3A_36, %select_n3A_78 : vector<16xf32>
      %gt3A_83 = arith.cmpf ogt, %get3A_36, %select_n3A_75 : vector<16xf32>
      %select_n3A_84 = arith.select %gt3A_83, %get3A_36, %select_n3A_75 : vector<16xi1>, vector<16xf32>
      %select_n3A_85 = arith.select %gt3A_82, %select_n3A_78, %select_n3A_84 : vector<16xi1>, vector<16xf32>
      %select_n3A_86 = arith.select %gt3A_83, %broadcast_in_dim3A_81, %select_n3A_77 : vector<16xi1>, vector<16xi32>
      %select_n3A_87 = arith.select %gt3A_82, %select_n3A_79, %select_n3A_86 : vector<16xi1>, vector<16xi32>
      %select_n3A_88 = arith.select %gt3A_82, %get3A_36, %select_n3A_78 : vector<16xi1>, vector<16xf32>
      %select_n3A_89 = arith.select %gt3A_82, %broadcast_in_dim3A_81, %select_n3A_79 : vector<16xi1>, vector<16xi32>
      %broadcast_in_dim3A_90 = arith.constant 4 : i32
      %broadcast_in_dim3A_91 = vector.broadcast %broadcast_in_dim3A_90 : i32 to vector<16xi32>
      %gt3A_92 = arith.cmpf ogt, %get3A_41, %select_n3A_88 : vector<16xf32>
      %gt3A_93 = arith.cmpf ogt, %get3A_41, %select_n3A_85 : vector<16xf32>
      %select_n3A_94 = arith.select %gt3A_93, %get3A_41, %select_n3A_85 : vector<16xi1>, vector<16xf32>
      %select_n3A_95 = arith.select %gt3A_92, %select_n3A_88, %select_n3A_94 : vector<16xi1>, vector<16xf32>
      %select_n3A_96 = arith.select %gt3A_93, %broadcast_in_dim3A_91, %select_n3A_87 : vector<16xi1>, vector<16xi32>
      %select_n3A_97 = arith.select %gt3A_92, %select_n3A_89, %select_n3A_96 : vector<16xi1>, vector<16xi32>
      %select_n3A_98 = arith.select %gt3A_92, %get3A_41, %select_n3A_88 : vector<16xi1>, vector<16xf32>
      %select_n3A_99 = arith.select %gt3A_92, %broadcast_in_dim3A_91, %select_n3A_89 : vector<16xi1>, vector<16xi32>
      %broadcast_in_dim3A_100 = arith.constant 5 : i32
      %broadcast_in_dim3A_101 = vector.broadcast %broadcast_in_dim3A_100 : i32 to vector<16xi32>
      %gt3A_102 = arith.cmpf ogt, %get3A_46, %select_n3A_98 : vector<16xf32>
      %gt3A_103 = arith.cmpf ogt, %get3A_46, %select_n3A_95 : vector<16xf32>
      %select_n3A_104 = arith.select %gt3A_103, %get3A_46, %select_n3A_95 : vector<16xi1>, vector<16xf32>
      %select_n3A_105 = arith.select %gt3A_102, %select_n3A_98, %select_n3A_104 : vector<16xi1>, vector<16xf32>
      %select_n3A_106 = arith.select %gt3A_103, %broadcast_in_dim3A_101, %select_n3A_97 : vector<16xi1>, vector<16xi32>
      %select_n3A_107 = arith.select %gt3A_102, %select_n3A_99, %select_n3A_106 : vector<16xi1>, vector<16xi32>
      %select_n3A_108 = arith.select %gt3A_102, %get3A_46, %select_n3A_98 : vector<16xi1>, vector<16xf32>
      %select_n3A_109 = arith.select %gt3A_102, %broadcast_in_dim3A_101, %select_n3A_99 : vector<16xi1>, vector<16xi32>
      %broadcast_in_dim3A_110 = arith.constant 6 : i32
      %broadcast_in_dim3A_111 = vector.broadcast %broadcast_in_dim3A_110 : i32 to vector<16xi32>
      %gt3A_112 = arith.cmpf ogt, %get3A_51, %select_n3A_108 : vector<16xf32>
      %gt3A_113 = arith.cmpf ogt, %get3A_51, %select_n3A_105 : vector<16xf32>
      %select_n3A_114 = arith.select %gt3A_113, %get3A_51, %select_n3A_105 : vector<16xi1>, vector<16xf32>
      %select_n3A_115 = arith.select %gt3A_112, %select_n3A_108, %select_n3A_114 : vector<16xi1>, vector<16xf32>
      %select_n3A_116 = arith.select %gt3A_113, %broadcast_in_dim3A_111, %select_n3A_107 : vector<16xi1>, vector<16xi32>
      %select_n3A_117 = arith.select %gt3A_112, %select_n3A_109, %select_n3A_116 : vector<16xi1>, vector<16xi32>
      %select_n3A_118 = arith.select %gt3A_112, %get3A_51, %select_n3A_108 : vector<16xi1>, vector<16xf32>
      %select_n3A_119 = arith.select %gt3A_112, %broadcast_in_dim3A_111, %select_n3A_109 : vector<16xi1>, vector<16xi32>
      %broadcast_in_dim3A_120 = arith.constant 7 : i32
      %broadcast_in_dim3A_121 = vector.broadcast %broadcast_in_dim3A_120 : i32 to vector<16xi32>
      %gt3A_122 = arith.cmpf ogt, %get3A_56, %select_n3A_118 : vector<16xf32>
      %gt3A_123 = arith.cmpf ogt, %get3A_56, %select_n3A_115 : vector<16xf32>
      %select_n3A_124 = arith.select %gt3A_123, %get3A_56, %select_n3A_115 : vector<16xi1>, vector<16xf32>
      %select_n3A_125 = arith.select %gt3A_122, %select_n3A_118, %select_n3A_124 : vector<16xi1>, vector<16xf32>
      %select_n3A_126 = arith.select %gt3A_123, %broadcast_in_dim3A_121, %select_n3A_117 : vector<16xi1>, vector<16xi32>
      %select_n3A_127 = arith.select %gt3A_122, %select_n3A_119, %select_n3A_126 : vector<16xi1>, vector<16xi32>
      %select_n3A_128 = arith.select %gt3A_122, %get3A_56, %select_n3A_118 : vector<16xi1>, vector<16xf32>
      %select_n3A_129 = arith.select %gt3A_122, %broadcast_in_dim3A_121, %select_n3A_119 : vector<16xi1>, vector<16xi32>
      %swap3A = arith.index_cast %mul3A_17 : i32 to index
      %swap3A_130 = tpu.vector_load %arg8[%swap3A] {strides = array<i32>} : memref<1024xf32, #tpu.memory_space<vmem>>, vector<16xf32>,
      %swap3A_131 = vector.shape_cast %swap3A_130 : vector<16xf32> to vector<16xf32>
      %swap3A_132 = vector.shape_cast %select_n3A_128 : vector<16xf32> to vector<16xf32>
      tpu.vector_store %arg8[%swap3A], %swap3A_132 {strides = array<i32>} : memref<1024xf32, #tpu.memory_space<vmem>>, vector<16xf32>,
      %swap3A_133 = arith.index_cast %mul3A_17 : i32 to index
      %swap3A_134 = tpu.vector_load %arg9[%swap3A_133] {strides = array<i32>} : memref<1024xf32, #tpu.memory_space<vmem>>, vector<16xf32>,
      %swap3A_135 = vector.shape_cast %swap3A_134 : vector<16xf32> to vector<16xf32>
      %swap3A_136 = vector.shape_cast %select_n3A_125 : vector<16xf32> to vector<16xf32>
      tpu.vector_store %arg9[%swap3A_133], %swap3A_136 {strides = array<i32>} : memref<1024xf32, #tpu.memory_space<vmem>>, vector<16xf32>,
      %swap3A_137 = arith.index_cast %mul3A_17 : i32 to index
      %swap3A_138 = tpu.vector_load %arg10[%swap3A_137] {strides = array<i32>} : memref<1024xi32, #tpu.memory_space<vmem>>, vector<16xi32>,
      %swap3A_139 = vector.shape_cast %swap3A_138 : vector<16xi32> to vector<16xi32>
      %swap3A_140 = vector.shape_cast %select_n3A_129 : vector<16xi32> to vector<16xi32>
      tpu.vector_store %arg10[%swap3A_137], %swap3A_140 {strides = array<i32>} : memref<1024xi32, #tpu.memory_space<vmem>>, vector<16xi32>,
      %swap3A_141 = arith.index_cast %mul3A_17 : i32 to index
      %swap3A_142 = tpu.vector_load %arg11[%swap3A_141] {strides = array<i32>} : memref<1024xi32, #tpu.memory_space<vmem>>, vector<16xi32>,
      %swap3A_143 = vector.shape_cast %swap3A_142 : vector<16xi32> to vector<16xi32>
      %swap3A_144 = vector.shape_cast %select_n3A_127 : vector<16xi32> to vector<16xi32>
      tpu.vector_store %arg11[%swap3A_141], %swap3A_144 {strides = array<i32>} : memref<1024xi32, #tpu.memory_space<vmem>>, vector<16xi32>,
    }
    %scan3A_14 = arith.constant 64 : i32
    "tpu.region"() ({
      %run_scoped3A_15 = tpu.sem_alloc : memref<!tpu.dma_semaphore, #tpu.memory_space<semaphore_mem>>
      %dma_start3A = tpu.memref_slice %arg3[%mul3A_2] : memref<32768xf32, #tpu.memory_space<hbm>> -> memref<1024xf32, #tpu.memory_space<hbm>>
      %dma_start3A_16 = tpu.memref_slice %arg3[%mul3A_2] : memref<32768xf32, #tpu.memory_space<hbm>> -> memref<1024xf32, #tpu.memory_space<hbm>>
      tpu.enqueue_dma source(%arg8 : memref<1024xf32, #tpu.memory_space<vmem>>) target(%dma_start3A_16 : memref<1024xf32, #tpu.memory_space<hbm>>) target_semaphore(%run_scoped3A_15 : memref<!tpu.dma_semaphore, #tpu.memory_space<semaphore_mem>>)
      %dma_wait3A = tpu.memref_slice %arg3[%mul3A_2] : memref<32768xf32, #tpu.memory_space<hbm>> -> memref<1024xf32, #tpu.memory_space<hbm>>
      %dma_wait3A_17 = tpu.memref_slice %arg3[%mul3A_2] : memref<32768xf32, #tpu.memory_space<hbm>> -> memref<1024xf32, #tpu.memory_space<hbm>>
      tpu.wait_dma2 semaphore(%run_scoped3A_15 : memref<!tpu.dma_semaphore, #tpu.memory_space<semaphore_mem>>) src(%arg8 : memref<1024xf32, #tpu.memory_space<vmem>>) dst(%dma_wait3A_17 : memref<1024xf32, #tpu.memory_space<hbm>>)
      tpu.yield
    }) : () -> ()
    "tpu.region"() ({
      %run_scoped3A_15 = tpu.sem_alloc : memref<!tpu.dma_semaphore, #tpu.memory_space<semaphore_mem>>
      %dma_start3A = tpu.memref_slice %arg4[%mul3A_2] : memref<32768xf32, #tpu.memory_space<hbm>> -> memref<1024xf32, #tpu.memory_space<hbm>>
      %dma_start3A_16 = tpu.memref_slice %arg4[%mul3A_2] : memref<32768xf32, #tpu.memory_space<hbm>> -> memref<1024xf32, #tpu.memory_space<hbm>>
      tpu.enqueue_dma source(%arg9 : memref<1024xf32, #tpu.memory_space<vmem>>) target(%dma_start3A_16 : memref<1024xf32, #tpu.memory_space<hbm>>) target_semaphore(%run_scoped3A_15 : memref<!tpu.dma_semaphore, #tpu.memory_space<semaphore_mem>>)
      %dma_wait3A = tpu.memref_slice %arg4[%mul3A_2] : memref<32768xf32, #tpu.memory_space<hbm>> -> memref<1024xf32, #tpu.memory_space<hbm>>
      %dma_wait3A_17 = tpu.memref_slice %arg4[%mul3A_2] : memref<32768xf32, #tpu.memory_space<hbm>> -> memref<1024xf32, #tpu.memory_space<hbm>>
      tpu.wait_dma2 semaphore(%run_scoped3A_15 : memref<!tpu.dma_semaphore, #tpu.memory_space<semaphore_mem>>) src(%arg9 : memref<1024xf32, #tpu.memory_space<vmem>>) dst(%dma_wait3A_17 : memref<1024xf32, #tpu.memory_space<hbm>>)
      tpu.yield
    }) : () -> ()
    "tpu.region"() ({
      %run_scoped3A_15 = tpu.sem_alloc : memref<!tpu.dma_semaphore, #tpu.memory_space<semaphore_mem>>
      %dma_start3A = tpu.memref_slice %arg5[%mul3A_2] : memref<32768xi32, #tpu.memory_space<hbm>> -> memref<1024xi32, #tpu.memory_space<hbm>>
      %dma_start3A_16 = tpu.memref_slice %arg5[%mul3A_2] : memref<32768xi32, #tpu.memory_space<hbm>> -> memref<1024xi32, #tpu.memory_space<hbm>>
      tpu.enqueue_dma source(%arg10 : memref<1024xi32, #tpu.memory_space<vmem>>) target(%dma_start3A_16 : memref<1024xi32, #tpu.memory_space<hbm>>) target_semaphore(%run_scoped3A_15 : memref<!tpu.dma_semaphore, #tpu.memory_space<semaphore_mem>>)
      %dma_wait3A = tpu.memref_slice %arg5[%mul3A_2] : memref<32768xi32, #tpu.memory_space<hbm>> -> memref<1024xi32, #tpu.memory_space<hbm>>
      %dma_wait3A_17 = tpu.memref_slice %arg5[%mul3A_2] : memref<32768xi32, #tpu.memory_space<hbm>> -> memref<1024xi32, #tpu.memory_space<hbm>>
      tpu.wait_dma2 semaphore(%run_scoped3A_15 : memref<!tpu.dma_semaphore, #tpu.memory_space<semaphore_mem>>) src(%arg10 : memref<1024xi32, #tpu.memory_space<vmem>>) dst(%dma_wait3A_17 : memref<1024xi32, #tpu.memory_space<hbm>>)
      tpu.yield
    }) : () -> ()
    "tpu.region"() ({
      %run_scoped3A_15 = tpu.sem_alloc : memref<!tpu.dma_semaphore, #tpu.memory_space<semaphore_mem>>
      %dma_start3A = tpu.memref_slice %arg6[%mul3A_2] : memref<32768xi32, #tpu.memory_space<hbm>> -> memref<1024xi32, #tpu.memory_space<hbm>>
      %dma_start3A_16 = tpu.memref_slice %arg6[%mul3A_2] : memref<32768xi32, #tpu.memory_space<hbm>> -> memref<1024xi32, #tpu.memory_space<hbm>>
      tpu.enqueue_dma source(%arg11 : memref<1024xi32, #tpu.memory_space<vmem>>) target(%dma_start3A_16 : memref<1024xi32, #tpu.memory_space<hbm>>) target_semaphore(%run_scoped3A_15 : memref<!tpu.dma_semaphore, #tpu.memory_space<semaphore_mem>>)
      %dma_wait3A = tpu.memref_slice %arg6[%mul3A_2] : memref<32768xi32, #tpu.memory_space<hbm>> -> memref<1024xi32, #tpu.memory_space<hbm>>
      %dma_wait3A_17 = tpu.memref_slice %arg6[%mul3A_2] : memref<32768xi32, #tpu.memory_space<hbm>> -> memref<1024xi32, #tpu.memory_space<hbm>>
      tpu.wait_dma2 semaphore(%run_scoped3A_15 : memref<!tpu.dma_semaphore, #tpu.memory_space<semaphore_mem>>) src(%arg11 : memref<1024xi32, #tpu.memory_space<vmem>>) dst(%dma_wait3A_17 : memref<1024xi32, #tpu.memory_space<hbm>>)
      tpu.yield
    }) : () -> ()
    return
  }
}

module attributes {stable_mosaic.version = 14 : i64} {
  func.func @_router_tc_body(%arg0: i32, %arg1: memref<2048x1024xf32, #tpu.memory_space<vmem>>, %arg2: memref<8x1024xf32, #tpu.memory_space<vmem>>, %arg3: memref<8x2048xf32, #tpu.memory_space<vmem>>, %arg4: memref<8x2048xf32, #tpu.memory_space<vmem>>) attributes {dimension_semantics = [#tpu.dimension_semantics<arbitrary>], iteration_bounds = array<i64: 16>, scalar_prefetch = 0 : i64, scratch_operands = 0 : i64, tpu.core_type = #tpu.core_type<tc>, window_params = [{transform_indices = @transform_0, window_bounds = array<i64: 2048, 1024>}, {pipeline_mode = #tpu.pipeline_mode<synchronous>, transform_indices = @transform_1, window_bounds = array<i64: 8, 1024>}, {transform_indices = @transform_2, window_bounds = array<i64: 8, 2048>}, {transform_indices = @transform_3, window_bounds = array<i64: 8, 2048>}]} {
    %get3A = arith.constant 0 : index
    %get3A_0 = arith.constant 0 : index
    %get3A_1 = vector.load %arg1[%get3A, %get3A_0] : memref<2048x1024xf32, #tpu.memory_space<vmem>>, vector<2048x1024xf32>
    %get3A_2 = arith.constant 0 : index
    %get3A_3 = arith.constant 0 : index
    %get3A_4 = vector.load %arg2[%get3A_2, %get3A_3] : memref<8x1024xf32, #tpu.memory_space<vmem>>, vector<8x1024xf32>
    %dot_general3A = arith.constant dense<0.000000e+00> : vector<2048x8xf32>
    %dot_general3A_5 = tpu.matmul %get3A_1, %get3A_4, %dot_general3A {dimension_numbers = #tpu.dot_dimension_numbers<[1], [1], [0], [0], [0, 0, 1, 0], [], []>, transpose_lhs_hint = false} : vector<2048x1024xf32>, vector<8x1024xf32>, vector<2048x8xf32> -> vector<2048x8xf32>
    %transpose3A = tpu.transpose %dot_general3A_5, [1, 0] : vector<2048x8xf32> -> vector<8x2048xf32>
    %swap3A = arith.constant 0 : index
    %swap3A_6 = arith.constant 0 : index
    %swap3A_7 = vector.load %arg3[%swap3A, %swap3A_6] : memref<8x2048xf32, #tpu.memory_space<vmem>>, vector<8x2048xf32>
    tpu.vector_store %arg3[%swap3A, %swap3A_6], %transpose3A {strides = array<i32>} : memref<8x2048xf32, #tpu.memory_space<vmem>>, vector<8x2048xf32>,
    %reduce_max3A = arith.constant dense<0xFF800000> : vector<2048xf32>
    %reduce_max3A_8 = vector.multi_reduction <maximumf>, %dot_general3A_5, %reduce_max3A [1] : vector<2048x8xf32> to vector<2048xf32>
    %broadcast_in_dim3A = vector.shape_cast %reduce_max3A_8 : vector<2048xf32> to vector<2048x1xf32>
    %sub3A = vector.broadcast %broadcast_in_dim3A : vector<2048x1xf32> to vector<2048x8xf32>
    %sub3A_9 = arith.subf %dot_general3A_5, %sub3A : vector<2048x8xf32>
    %exp3A = math.exp %sub3A_9 : vector<2048x8xf32>
    %reduce_sum3A = arith.constant dense<0.000000e+00> : vector<2048xf32>
    %reduce_sum3A_10 = vector.multi_reduction <add>, %exp3A, %reduce_sum3A [1] : vector<2048x8xf32> to vector<2048xf32>
    %broadcast_in_dim3A_11 = vector.shape_cast %reduce_sum3A_10 : vector<2048xf32> to vector<2048x1xf32>
    %div3A = vector.broadcast %broadcast_in_dim3A_11 : vector<2048x1xf32> to vector<2048x8xf32>
    %div3A_12 = arith.divf %exp3A, %div3A : vector<2048x8xf32>
    %transpose3A_13 = tpu.transpose %div3A_12, [1, 0] : vector<2048x8xf32> -> vector<8x2048xf32>
    %swap3A_14 = arith.constant 0 : index
    %swap3A_15 = arith.constant 0 : index
    %swap3A_16 = vector.load %arg4[%swap3A_14, %swap3A_15] : memref<8x2048xf32, #tpu.memory_space<vmem>>, vector<8x2048xf32>
    tpu.vector_store %arg4[%swap3A_14, %swap3A_15], %transpose3A_13 {strides = array<i32>} : memref<8x2048xf32, #tpu.memory_space<vmem>>, vector<8x2048xf32>,
    return
  }
  func.func @transform_0(%arg0: i32) -> (i32, i32) {
    %c0_i32 = arith.constant 0 : i32
    %c0_i32_0 = arith.constant 0 : i32
    return %arg0, %c0_i32 : i32, i32
  }
  func.func @transform_1(%arg0: i32) -> (i32, i32) {
    %c0_i32 = arith.constant 0 : i32
    %c0_i32_0 = arith.constant 0 : i32
    %c0_i32_1 = arith.constant 0 : i32
    return %c0_i32, %c0_i32_0 : i32, i32
  }
  func.func @transform_2(%arg0: i32) -> (i32, i32) {
    %c0_i32 = arith.constant 0 : i32
    %c0_i32_0 = arith.constant 0 : i32
    return %c0_i32, %arg0 : i32, i32
  }
  func.func @transform_3(%arg0: i32) -> (i32, i32) {
    %c0_i32 = arith.constant 0 : i32
    %c0_i32_0 = arith.constant 0 : i32
    return %c0_i32, %arg0 : i32, i32
  }
}

</mosaic_0001>

<sc_bundles>
// kernel: kernel.4.cloned.1.call-start
scs
__scs_entry_jumppad:
0x0: {  	(pc) =	sbr.rel $0x88, $3  }
0x1: {  	(tag) =	ssettag $0x0;
	lr =	simm.s32 $0x1  }
0x2: {  	[smem:$0x3F9F] =	sst lr;
	_ =	strace $0xD0000000  }
0x3: {  	_ = 	snop  }
0x4: {  	_ = 	snop  }
0x5: {  	_ = 	snop  }
0x6: {  	_ = 	snop  }
0x7: {  	_ = 	snop  }
__scs_overlays_trampoline_lowered:
0x8: {  	[smem:$0x3FAE] =	sst s0  }
0x9: {  	[smem:$0x3FAF] =	sst s1  }
0xa: {  	[smem:$0x3FB0] =	sst s2  }
0xb: {  	[smem:$0x3FB1] =	sst s3  }
0xc: {  	[smem:$0x3FB2] =	sst s4  }
0xd: {  	[smem:$0x3FB3] =	sst s5  }
0xe: {  	[smem:$0x3FB4] =	sst s6  }
0xf: {  	[smem:$0x3FB5] =	sst s7  }
0x10: {  	[smem:$0x3FB6] =	sst s8  }
0x11: {  	[smem:$0x3FB7] =	sst s9;
	s0 =	simm.s32 @!p0 $0x0  }
0x12: {  	s1 =	sld [smem:$0x3F9D];
	s0 =	simm.s32 @p0 $0x1  }
0x13: {  	[smem:$0x3FB8] =	sst s0;
	s0 =	simm.s32 @!p1 $0x0  }
0x14: {  	s2 =	sld [smem:$0x3F9C];
	s0 =	simm.s32 @p1 $0x1  }
0x15: {  	[smem:$0x3FB9] =	sst s0;
	s0 =	simm.s32 @!p2 $0x0  }
0x16: {  	s3 =	sld [smem:$0x3FDB];
	s0 =	simm.s32 @p2 $0x1  }
0x17: {  	s4 =	simm.s32 $0x1BF5;
	[smem:$0x3FBB] =	sst s0  }
0x18: {  	s0 =	sld [smem:$0x3F9E];
	_ =	swait.ge [sflag:s4], $0x0  }
0x19: {  	s7 =	sld [smem:$0x3F9F]  }
0x1a: {  	s8 =	sadd.s32 $0xFFFFE003, lr  }
0x1b: {  	s9 =	sadd.s32 $0xFFFFFEF7, lr;
	s5 =	simm.s32 $0xFFFFFFFF;
	p2 =	slt.u32 s8, $0xFFFFF086  }
0x1c: {  	p1 =	slt.u32 s9, $0xF7A;
	s5 =	simm.s32 @!p2 $0x0  }
0x1d: {  	s5 =	simm.s32 @p1 $0x1;
	p0 =	seq.s32 s7, s2  }
0x1e: {  	s7 =	smul.u32 @!p0 $0xF7A, s2;
	p2 =	seq.s32 @!p0 s5, $0x0  }
0x1f: {  	s9 =	smul.u32 $0xF7A, s1;
	s8 =	simm.s32 @!p0 $0x1BF5;
	p2 =	por !p2, p0  }
0x20: {  	[sflag:s8] =	ssyncset.s32 @!p0 $0xFFFFF086;
	s6 =	sadd.s32 @!p0 s3, s7;
	s7 =	simm.s32 @!p0 $0x108  }
0x21: {  	s3 =	sadd.s32 s3, s9;
	s6 =	sadd.s32 @!p0 $0x88, s6;
	s7 =	simm.s32 @p2 $0x1082  }
0x22: {  	[simem:s7], [sflag:s8] =	dma.local @!p0 [hbm:s6], $0xF7A  }
0x23: {  	s9 =	sor.u32 $0xD0000000, s2;
	s6 =	simm.s32 $0x108;
	_ =	swait.ge @!p0 [sflag:s8], $0x0  }
0x24: {  	s3 =	sadd.s32 $0x88, s3;
	s6 =	simm.s32 @!p1 $0x1082;
	[sflag:s4] =	ssyncset.s32 $0xFFFFF086  }
0x25: {  	[simem:s6], [sflag:s4] =	dma.local [hbm:s3], $0xF7A  }
0x26: {  	[smem:$0x3F9F] =	sst s1;
	(tag) =	ssettag s2;
	_ =	strace s9  }
0x27: {  	s1 =	sld [smem:$0x3FAF]  }
0x28: {  	s2 =	sld [smem:$0x3FB0]  }
0x29: {  	s4 =	sld [smem:$0x3FB2]  }
0x2a: {  	p0 =	seq.s32 s5, $0x0;
	s5 =	sld [smem:$0x3FB3]  }
0x2b: {  	s6 =	sld [smem:$0x3FB4]  }
0x2c: {  	s7 =	sld [smem:$0x3FB5]  }
0x2d: {  	s3 =	simm.s32 $0x108;
	s8 =	sld [smem:$0x3FB6]  }
0x2e: {  	s3 =	simm.s32 @!p0 $0x1082;
	s9 =	sld [smem:$0x3FB7]  }
0x2f: {  	lr =	sadd.s32 s0, s3;
	s0 =	sld [smem:$0x3FAE]  }
0x30: {  	s3 =	sld [smem:$0x3FB1]  }
0x31: {  	[smem:$0x3FBA] =	sst s10  }
0x32: {  	s10 =	sld [smem:$0x3FB8];
	_ =	sdelay $0x3  }
0x33: {  	p0 =	seq.s32 s10, $0x1;
	s10 =	sld [smem:$0x3FBA];
	_ =	sdelay $0x3  }
0x34: {  	[smem:$0x3FBA] =	sst s10  }
0x35: {  	s10 =	sld [smem:$0x3FB9];
	_ =	sdelay $0x3  }
0x36: {  	p1 =	seq.s32 s10, $0x1;
	s10 =	sld [smem:$0x3FBA];
	_ =	sdelay $0x3  }
0x37: {  	[smem:$0x3FBA] =	sst s10  }
0x38: {  	s10 =	sld [smem:$0x3FBB]  }
0x39: {  	_ = 	snop;
	(pc) =	sbr.ind lr, $3  }
0x3a: {  	_ = 	snop  }
0x3b: {  	_ = 	snop  }
0x3c: {  	p2 =	seq.s32 s10, $0x1;
	s10 =	sld [smem:$0x3FBA]  }
0x3d: {  	_ =	shalt  }
0x3e: {  	_ =	shalt  }
0x3f: {  	_ =	shalt  }
0x40: {  	_ =	shalt  }
0x41: {  	_ =	shalt  }
0x42: {  	_ =	shalt  }
0x43: {  	_ =	shalt  }
0x44: {  	_ =	shalt  }
0x45: {  	_ =	shalt  }
0x46: {  	_ =	shalt  }
0x47: {  	_ =	shalt  }
0x48: {  	_ =	shalt  }
0x49: {  	_ =	shalt  }
0x4a: {  	_ =	shalt  }
0x4b: {  	_ =	shalt  }
0x4c: {  	_ =	shalt  }
0x4d: {  	_ =	shalt  }
0x4e: {  	_ =	shalt  }
0x4f: {  	_ =	shalt  }
0x50: {  	_ =	shalt  }
0x51: {  	_ =	shalt  }
0x52: {  	_ =	shalt  }
0x53: {  	_ =	shalt  }
0x54: {  	_ =	shalt  }
0x55: {  	_ =	shalt  }
0x56: {  	_ =	shalt  }
0x57: {  	_ =	shalt  }
0x58: {  	_ =	shalt  }
0x59: {  	_ =	shalt  }
0x5a: {  	_ =	shalt  }
0x5b: {  	_ =	shalt  }
0x5c: {  	_ =	shalt  }
0x5d: {  	_ =	shalt  }
0x5e: {  	_ =	shalt  }
0x5f: {  	_ =	shalt  }
0x60: {  	_ =	shalt  }
0x61: {  	_ =	shalt  }
0x62: {  	_ =	shalt  }
0x63: {  	_ =	shalt  }
0x64: {  	_ =	shalt  }
0x65: {  	_ =	shalt  }
0x66: {  	_ =	shalt  }
0x67: {  	_ =	shalt  }
0x68: {  	_ =	shalt  }
0x69: {  	_ =	shalt  }
0x6a: {  	_ =	shalt  }
0x6b: {  	_ =	shalt  }
0x6c: {  	_ =	shalt  }
0x6d: {  	_ =	shalt  }
0x6e: {  	_ =	shalt  }
0x6f: {  	_ =	shalt  }
0x70: {  	_ =	shalt  }
0x71: {  	_ =	shalt  }
0x72: {  	_ =	shalt  }
0x73: {  	_ =	shalt  }
0x74: {  	_ =	shalt  }
0x75: {  	_ =	shalt  }
0x76: {  	_ =	shalt  }
0x77: {  	_ =	shalt  }
0x78: {  	_ =	shalt  }
0x79: {  	_ =	shalt  }
0x7a: {  	_ =	shalt  }
0x7b: {  	_ =	shalt  }
0x7c: {  	_ =	shalt  }
0x7d: {  	_ =	shalt  }
0x7e: {  	_ =	shalt  }
0x7f: {  	_ =	shalt  }
0x80: {  	_ =	shalt  }
0x81: {  	_ =	shalt  }
0x82: {  	_ =	shalt  }
0x83: {  	_ =	shalt  }
0x84: {  	_ =	shalt  }
0x85: {  	_ =	shalt  }
0x86: {  	_ =	shalt  }
0x87: {  	_ =	shalt  }
.Lfunc_end0:
.L_simem_size_0:
called_computation_lowered:
.L_overlay_start_0:
0x88: {  	s2 =	sld [smem:$0x3FD9]  }
0x89: {  	s3 =	sld [smem:$0x3FFE];
	_ =	sdelay $0x1  }
0x8a: {  	s1 =	srdreg.scid  }
0x8b: {  	s0 =	sand.u32 $0x1, s1  }
0x8c: {  	s14 =	sshll.u32 s0, $0xA;
	s2 =	sadd.s32 s3, s2  }
0x8d: {  	s2 =	sadd.s32 s2, s14  }
0x8e: {  	[smem:$0x3FC6] =	sst s2  }
0x8f: {  	_ = 	snop  }
0x90: {  	s2 =	sld [smem:$0x3FD0];
	_ =	sdelay $0x2  }
0x91: {  	s15 =	simm.s32 $0xA;
	s4 =	simm.s32 $0x10  }
0x92: {  	[smem:s4], [sflag:s15] =	dma.local [hbm:s2], $0x1  }
0x93: {  	_ =	swait.eq [sflag:s15], $0x1  }
0x94: {  	[sflag:s15] =	ssyncset.done $0x0  }
0x95: {  	s16 =	sld [smem:$0x10];
	[sflag:s15] =	ssyncadd.s32 $0xFFFFFFFF  }
0x96: {  	s17 =	sld [smem:$0x13];
	(tm) =	ssettm $0x1  }
0x97: {  	s18 =	sld [smem:$0x3FFB];
	_ =	sdelay $0x3  }
0x98: {  	_ =	strace s18  }
0x99: {  	s4 =	sld [smem:$0x3FFC];
	_ =	sdelay $0x3  }
0x9a: {  	_ =	strace s4  }
0x9b: {  	s4 =	sld [smem:$0x3FFD];
	_ =	sdelay $0x3  }
0x9c: {  	_ =	strace s4  }
0x9d: {  	_ =	strace $0x8FFFFFFF  }
0x9e: {  	s19 =	sld [smem:$0x3FDB];
	_ =	sdelay $0x1  }
0x9f: {  	s5 =	simm.s32 $_scs_section_size  }
0xa0: {  	s6 =	simm.s32 $_size__tile_overlayer_lowered;
	s7 =	simm.s32 $_tile_overlayer_lowered  }
0xa1: {  	s22 =	simm.s32 $0x1BFF;
	s21 =	sshll.u32 s7, $0x1;
	s4 =	sadd.s32 s5, s19  }
0xa2: {  	s8 =	simm.s32 $0x0;
	s20 =	sshll.u32 s6, $0x1;
	s6 =	sadd.s32 s21, s4  }
0xa3: {  	[timem:s8], [sflag:s22] =	dma.local [hbm:s6], s20  }
0xa4: {  	_ =	swait.ge [sflag:s22], s20  }
0xa5: {  	s5 =	ssub.s32 $0x0, s20;
	[sflag:s22] =	ssyncset.done $0x0  }
0xa6: {  	[sflag:s22] =	ssyncadd.s32 s5;
	_ =	sdelay $0x1  }
0xa7: {  	s23 =	simm.s32 $0x1B8B  }
0xa8: {  	_ =	swait.ge [sflag:s23], $0x1  }
0xa9: {  	[sflag:s23] =	ssyncset.done $0x0  }
0xaa: {  	s25 =	simm.s32 $0x1B8E;
	s24 =	sld [smem:$0x3FFE];
	[sflag:s23] =	ssyncadd.s32 $0xFFFFFFFF  }
0xab: {  	s26 =	simm.s32 $execute0_lowered;
	[smem:$0x3FD2] =	sst s25  }
0xac: {  	s6 =	sshll.u32 s26, $0x1;
	_ =	strace $0x80000046;
	[dreg:$0x1] =	wrdreg $0xFFFFFFFF  }
0xad: {  	s28 =	simm.s32 $_size_execute0_lowered;
	s4 =	sadd.s32 s4, s6;
	[dreg:$0x0] =	wrdreg $0x0  }
0xae: {  	s6 =	sshll.u32 s28, $0x1;
	[dreg:$0x2] =	wrdreg s4  }
0xaf: {  	[dreg:$0x3] =	wrdreg s6  }
0xb0: {  	[dreg:$0x4] =	wrdreg $0xC0  }
0xb1: {  	_ =	task [dreg:s8], $0x5FFFF  }
0xb2: {  	[dreg:$0x1] =	wrdreg $0xFFFFFFFF  }
0xb3: {  	[dreg:$0x0] =	wrdreg $0x60  }
0xb4: {  	[dreg:$0x2] =	wrdreg s16  }
0xb5: {  	[dreg:$0x3] =	wrdreg s17  }
0xb6: {  	[dreg:$0x4] =	wrdreg s24  }
0xb7: {  	[dreg:$0x5] =	wrdreg $0x9  }
0xb8: {  	_ =	task.clear_ibuf [dreg:s8], $0x6FFFF;
	_ =	strace $0x90000046  }
0xb9: {  	s29 =	simm.s32 $0x9;
	_ =	strace $0x80000048  }
0xba: {  	_ =	swait.ge [sflag:s29], $0x1  }
0xbb: {  	[sflag:s29] =	ssyncadd.s32 $0xFFFFFFFF  }
0xbc: {  	_ =	strace $0x90000048  }
0xbd: {  	_ =	sfence  }
0xbe: {  	s30 =	sld [smem:$0x0];
	_ =	sdelay $0x2  }
0xbf: {  	s31 =	sshll.u32 s1, $0xD;
	s1 =	sshrl.u32 s1, $0x2  }
0xc0: {  	s3 =	sand.u32 $0x4000, s31;
	s1 =	sadd.s32 s1, s30  }
0xc1: {  	s0 =	sor.u32 s3, s0;
	s1 =	sshll.u32 s1, $0x11  }
0xc2: {  	s0 =	sor.u32 s1, s0  }
0xc3: {  	s0 =	sadd.s32 $0x8F2B, s0  }
0xc4: {  	[sflag:s0] =	ssyncadd.remote.s32 $0x1  }
0xc5: {  	_ =	sfence.sel $0xFFFF  }
0xc6: {  	[dreg:$0x0] =	wrdreg $0xFFFFFFFF;
	(pc) =	sbr.abs _section_cstart, $3  }
0xc7: {  	[dreg:$0x1] =	wrdreg $0xFFFFFFFF  }
0xc8: {  	_ =	task.clear_ibuf [dreg:s8], $0x2FFFF;
	_ =	strace $0x9FFFFFFF  }
0xc9: {  	(tm) =	ssettm $0x7FFFFFFF  }
tec
execute0_lowered:
.L_overlay_start_1:
0x0: {  	(tag) =	ssettag $0x1  }
0x1: {  	s0 =	rddreg [dreg:$0x0]  }
0x2: {  	s1 =	rddreg [dreg:$0x1]  }
0x3: {  	s3 =	rddreg [dreg:$0x2];
	s2 =	srdreg.scid  }
0x4: {  	s5 =	stileid.u32;
	s16 =	simm.s32 $0x80;
	s17 =	simm.s32 $0x400  }
0x5: {  	s18 =	simm.s32 $0x1;
	s25 =	simm.s32 $0x2000;
	s26 =	simm.s32 $0x2400  }
0x6: {  	s28 =	simm.s32 $0x2800;
	s30 =	simm.s32 $0x0;
	s4 =	sand.u32 $0x1, s2  }
0x7: {  	s2 =	simm.s32 $0x0;
	s5 =	sshll.u32 s5, $0xB;
	s6 =	sshll.u32 s4, $0xA  }
0x8: {  	[smem:$0x7FF] =	sst s2;
	s4 =	ssub.s32 $0x2, s4;
	s5 =	sor.u32 s6, s5  }
0x9: {  	_ =	strace $0x80000047;
	s29 =	sshrl.u32 s4, $0x1;
	s11 =	sshrl.u32 s5, $0x3  }
0xa: {  	s31 =	ssub.s32 s4, s29;
	s14 =	sadd.s32 s11, s3;
	s3 =	sadd.s32 s0, s5  }
0xb: {  	s11 =	sadd.s32 s1, s11;
	s15 =	smax.u32 s31, $0x1;
	s4 =	sadd.s32 $0x10, s3  }
0xc: {  	s5 =	sadd.s32 $0x20, s3;
	s6 =	sadd.s32 $0x30, s3;
	s7 =	sadd.s32 $0x40, s3  }
0xd: {  	s8 =	sadd.s32 $0x50, s3;
	s9 =	sadd.s32 $0x60, s3;
	s10 =	sadd.s32 $0x70, s3  }
0xe: {  	v0 =	vimm.s32 $0x0;
	s12 =	sadd.s32 $0xC00, s14;
	s13 =	sadd.s32 $0x1C00, s14;
	s14 =	sadd.s32 $0x2C00, s14  }
.LBB2_1:
0xf: {  	[tilespmem:s2], [sflag:$0x1] =	stream.strided.gather [hbm4b:s3+s16], $0x400, s17, s16, $0x38;
	[tilespmem:$0x3000] =	vst v63  }
0x10: {  	_ =	swait.ge [sflag:s18], $0x400  }
0x11: {  	[sflag:s18] =	ssyncset.done $0x0  }
0x12: {  	[sflag:s18] =	ssyncadd.s32 $0xFFFFFC00  }
0x13: {  	[tilespmem:s17], [sflag:$0x1] =	stream.strided.gather [hbm4b:s4+s16], $0x400, s17, s16, $0x38;
	[tilespmem:$0x3000] =	vst v63  }
0x14: {  	_ =	swait.ge [sflag:s18], $0x400  }
0x15: {  	[sflag:s18] =	ssyncset.done $0x0  }
0x16: {  	s0 =	simm.s32 $0x800;
	[sflag:s18] =	ssyncadd.s32 $0xFFFFFC00  }
0x17: {  	[tilespmem:s0], [sflag:$0x1] =	stream.strided.gather [hbm4b:s5+s16], $0x400, s17, s16, $0x38;
	[tilespmem:$0x3000] =	vst v63  }
0x18: {  	_ =	swait.ge [sflag:s18], $0x400  }
0x19: {  	[sflag:s18] =	ssyncset.done $0x0  }
0x1a: {  	s20 =	simm.s32 $0xC00;
	[sflag:s18] =	ssyncadd.s32 $0xFFFFFC00  }
0x1b: {  	[tilespmem:s20], [sflag:$0x1] =	stream.strided.gather [hbm4b:s6+s16], $0x400, s17, s16, $0x38;
	[tilespmem:$0x3000] =	vst v63  }
0x1c: {  	_ =	swait.ge [sflag:s18], $0x400  }
0x1d: {  	[sflag:s18] =	ssyncset.done $0x0  }
0x1e: {  	s21 =	simm.s32 $0x1000;
	[sflag:s18] =	ssyncadd.s32 $0xFFFFFC00  }
0x1f: {  	[tilespmem:s21], [sflag:$0x1] =	stream.strided.gather [hbm4b:s7+s16], $0x400, s17, s16, $0x38;
	[tilespmem:$0x3000] =	vst v63  }
0x20: {  	_ =	swait.ge [sflag:s18], $0x400  }
0x21: {  	[sflag:s18] =	ssyncset.done $0x0  }
0x22: {  	s22 =	simm.s32 $0x1400;
	[sflag:s18] =	ssyncadd.s32 $0xFFFFFC00  }
0x23: {  	[tilespmem:s22], [sflag:$0x1] =	stream.strided.gather [hbm4b:s8+s16], $0x400, s17, s16, $0x38;
	[tilespmem:$0x3000] =	vst v63  }
0x24: {  	_ =	swait.ge [sflag:s18], $0x400  }
0x25: {  	[sflag:s18] =	ssyncset.done $0x0  }
0x26: {  	s23 =	simm.s32 $0x1800;
	[sflag:s18] =	ssyncadd.s32 $0xFFFFFC00  }
0x27: {  	[tilespmem:s23], [sflag:$0x1] =	stream.strided.gather [hbm4b:s9+s16], $0x400, s17, s16, $0x38;
	[tilespmem:$0x3000] =	vst v63  }
0x28: {  	_ =	swait.ge [sflag:s18], $0x400  }
0x29: {  	[sflag:s18] =	ssyncset.done $0x0  }
0x2a: {  	s24 =	simm.s32 $0x1C00;
	[sflag:s18] =	ssyncadd.s32 $0xFFFFFC00  }
0x2b: {  	[tilespmem:s24], [sflag:$0x1] =	stream.strided.gather [hbm4b:s10+s16], $0x400, s17, s16, $0x38;
	[tilespmem:$0x3000] =	vst v63  }
0x2c: {  	_ =	swait.ge [sflag:s18], $0x400  }
0x2d: {  	[sflag:s18] =	ssyncset.done $0x0  }
0x2e: {  	s29 =	sand.u32 $0x3F0, s2;
	[sflag:s18] =	ssyncadd.s32 $0xFFFFFC00  }
0x2f: {  	v1 =	vld [tilespmem:s29+$0x400]  }
0x30: {  	v2 =	vld [tilespmem:s2+$0x0];
	_ =	sdelay $0x2  }
0x31: {  	v3 =	vld [tilespmem:s29+$0x800]  }
0x32: {  	vm0 =	vlt.f32 v1, $-Inf;
	vm1 =	vgt.f32 v1, $-Inf  }
0x33: {  	vm2 =	vgt.f32 v1, v2;
	vm0 =	vmor vm1, vm0  }
0x34: {  	v4 =	vld [tilespmem:s29+$0xC00];
	vm15 =	vmneg vm2;
	v5 =	vnsel vm0, $0xFF800000, v1  }
0x35: {  	v5 =	vsel vm15, v5, v2  }
0x36: {  	v1 =	vsel vm15, v2, v1;
	vm3 =	vgt.f32 v3, v5  }
0x37: {  	v2 =	vld [tilespmem:s29+$0x1000];
	vm5 =	vgt.f32 v3, v1;
	v5 =	vsel vm3, v3, v5  }
0x38: {  	v7 =	vsel vm2, $0x1, v0;
	vm0 =	vmand vm15, vm0;
	v5 =	vsel vm5, v1, v5  }
0x39: {  	v6 =	vsel vm0, $0x1, v0;
	v1 =	vsel vm5, v3, v1;
	vm6 =	vgt.f32 v4, v5  }
0x3a: {  	v61 =	vld [tilespmem:s29+$0x1400];
	v3 =	vsel vm3, $0x2, v6;
	vm7 =	vgt.f32 v4, v1;
	v5 =	vsel vm6, v4, v5  }
0x3b: {  	v3 =	vsel vm5, v7, v3;
	v5 =	vsel vm7, v1, v5  }
0x3c: {  	v7 =	vsel vm5, $0x2, v7;
	v1 =	vsel vm7, v4, v1;
	vm8 =	vgt.f32 v2, v5  }
0x3d: {  	v62 =	vld [tilespmem:s29+$0x1800];
	v3 =	vsel vm6, $0x3, v3;
	vm9 =	vgt.f32 v2, v1;
	v5 =	vsel vm8, v2, v5  }
0x3e: {  	v3 =	vsel vm7, v7, v3;
	v5 =	vsel vm9, v1, v5  }
0x3f: {  	v7 =	vsel vm7, $0x3, v7;
	v1 =	vsel vm9, v2, v1;
	vm10 =	vgt.f32 v61, v5  }
0x40: {  	v2 =	vsel vm8, $0x4, v3;
	v3 =	vld [tilespmem:s29+$0x1C00];
	vm11 =	vgt.f32 v61, v1;
	v5 =	vsel vm10, v61, v5  }
0x41: {  	v2 =	vsel vm9, v7, v2;
	v5 =	vsel vm11, v1, v5  }
0x42: {  	v7 =	vsel vm9, $0x4, v7;
	v1 =	vsel vm11, v61, v1;
	vm12 =	vgt.f32 v62, v5  }
0x43: {  	v2 =	vsel vm10, $0x5, v2;
	vm13 =	vgt.f32 v62, v1;
	v5 =	vsel vm12, v62, v5  }
0x44: {  	v63 =	vsel vm11, $0x5, v7;
	v5 =	vsel vm13, v1, v5;
	v1 =	vsel vm13, v62, v1  }
0x45: {  	v2 =	vsel vm11, v7, v2;
	vm14 =	vgt.f32 v3, v1;
	vm15 =	vgt.f32 v3, v5  }
0x46: {  	v2 =	vsel vm12, $0x6, v2;
	v5 =	vsel vm15, v3, v5;
	v3 =	vsel vm14, v3, v1  }
0x47: {  	s31 =	simm.s32 $0x2C10;
	s19 =	simm.s32 $0x2010;
	v4 =	vsel vm13, $0x6, v63;
	v2 =	vsel vm13, v63, v2;
	v1 =	vsel vm14, v1, v5;
	[tilespmem:s25+$0x0] =	vst v3  }
0x48: {  	s1 =	simm.s32 $0x2810;
	s0 =	simm.s32 $0x2410;
	s20 =	simm.s32 $0x10;
	v2 =	vsel vm15, $0x7, v2;
	v3 =	vsel vm14, $0x7, v4;
	[tilespmem:s26+$0x0] =	vst v1  }
0x49: {  	s21 =	simm.s32 $0x0;
	s22 =	simm.s32 $0x2C00;
	s23 =	simm.s32 $0x20;
	v1 =	vsel vm14, v4, v2;
	[tilespmem:s28+$0x0] =	vst v3  }
.LBB2_2:
0x4a: {  	s24 =	sand.u32 $0x3F0, s20;
	s21 =	sadd.s32 $0x10, s21  }
0x4b: {  	[tilespmem:s22+$0x0] =	vst v1;
	s20 =	smov.u32 s23;
	s29 =	sadd.s32 $0x10, s23;
	s22 =	smov.u32 s31  }
0x4c: {  	p0 =	sne.s32 s23, $0x3F0;
	v1 =	vld [tilespmem:s24+$0x400]  }
0x4d: {  	v2 =	vld [tilespmem:s21+$0x0];
	_ =	sdelay $0x2  }
0x4e: {  	v3 =	vld [tilespmem:s24+$0x800]  }
0x4f: {  	vm0 =	vlt.f32 v1, $-Inf;
	vm1 =	vgt.f32 v1, $-Inf  }
0x50: {  	vm2 =	vgt.f32 v1, v2;
	vm0 =	vmor vm1, vm0  }
0x51: {  	v4 =	vld [tilespmem:s24+$0xC00];
	vm1 =	vmneg vm2;
	v5 =	vnsel vm0, $0xFF800000, v1  }
0x52: {  	v5 =	vsel vm1, v5, v2;
	vm0 =	vmand vm1, vm0;
	v1 =	vsel vm1, v2, v1  }
0x53: {  	v6 =	vsel vm2, $0x1, v0;
	v2 =	vsel vm0, $0x1, v0;
	vm0 =	vgt.f32 v3, v5  }
0x54: {  	vm1 =	vgt.f32 v3, v1;
	v7 =	vld [tilespmem:s24+$0x1000];
	v5 =	vsel vm0, v3, v5;
	v2 =	vsel vm0, $0x2, v2  }
0x55: {  	v5 =	vsel vm1, v1, v5;
	v2 =	vsel vm1, v6, v2;
	v1 =	vsel vm1, v3, v1  }
0x56: {  	v3 =	vsel vm1, $0x2, v6;
	vm0 =	vgt.f32 v4, v5  }
0x57: {  	vm1 =	vgt.f32 v4, v1;
	v6 =	vld [tilespmem:s24+$0x1400];
	v5 =	vsel vm0, v4, v5;
	v2 =	vsel vm0, $0x3, v2  }
0x58: {  	v5 =	vsel vm1, v1, v5;
	v2 =	vsel vm1, v3, v2;
	v1 =	vsel vm1, v4, v1  }
0x59: {  	v3 =	vsel vm1, $0x3, v3;
	vm0 =	vgt.f32 v7, v5  }
0x5a: {  	vm1 =	vgt.f32 v7, v1;
	v4 =	vld [tilespmem:s24+$0x1800];
	v5 =	vsel vm0, v7, v5;
	v2 =	vsel vm0, $0x4, v2  }
0x5b: {  	v5 =	vsel vm1, v1, v5;
	v2 =	vsel vm1, v3, v2;
	v3 =	vsel vm1, $0x4, v3  }
0x5c: {  	v1 =	vsel vm1, v7, v1;
	vm0 =	vgt.f32 v6, v5  }
0x5d: {  	vm1 =	vgt.f32 v6, v1;
	v7 =	vld [tilespmem:s24+$0x1C00];
	v5 =	vsel vm0, v6, v5;
	v2 =	vsel vm0, $0x5, v2  }
0x5e: {  	v5 =	vsel vm1, v1, v5  }
0x5f: {  	v2 =	vsel vm1, v3, v2;
	v1 =	vsel vm1, v6, v1;
	vm0 =	vgt.f32 v4, v5  }
0x60: {  	vm2 =	vgt.f32 v4, v1;
	v5 =	vsel vm0, v4, v5;
	v2 =	vsel vm0, $0x6, v2  }
0x61: {  	v3 =	vsel vm1, $0x5, v3;
	v5 =	vsel vm2, v1, v5;
	v1 =	vsel vm2, v4, v1  }
.Ltmp0:
0x62: {  	v2 =	vsel vm2, v3, v2;
	vm0 =	vgt.f32 v7, v1;
	vm1 =	vgt.f32 v7, v5;
	(pc) =	sbr.rel @p0 .LBB2_2-.Ltmp0, $4  }
0x63: {  	v4 =	vsel vm1, v7, v5;
	v2 =	vsel vm1, $0x7, v2;
	v5 =	vsel vm0, v7, v1  }
0x64: {  	v3 =	vsel vm2, $0x6, v3;
	v1 =	vsel vm0, v1, v4;
	[tilespmem:s19+$0x0] =	vst v5  }
0x65: {  	s31 =	sadd.s32 $0x10, s31;
	s23 =	smov.u32 s29;
	v4 =	vsel vm0, $0x7, v3;
	[tilespmem:s0+$0x0] =	vst v1  }
0x66: {  	s19 =	sadd.s32 $0x10, s19;
	v1 =	vsel vm0, v3, v2;
	s0 =	sadd.s32 $0x10, s0;
	[tilespmem:s1+$0x0] =	vst v4;
	s1 =	sadd.s32 $0x10, s1  }
0x67: {  	s20 =	sand.u32 $0x3F0, s20;
	[tilespmem:s22+$0x0] =	vst v1  }
0x68: {  	s21 =	sadd.s32 $0x10, s21;
	v1 =	vld [tilespmem:s20+$0x400]  }
0x69: {  	v2 =	vld [tilespmem:s21+$0x0];
	_ =	sdelay $0x2  }
0x6a: {  	v3 =	vld [tilespmem:s20+$0x800]  }
0x6b: {  	vm0 =	vlt.f32 v1, $-Inf;
	vm1 =	vgt.f32 v1, $-Inf  }
0x6c: {  	vm2 =	vgt.f32 v1, v2;
	vm0 =	vmor vm1, vm0  }
0x6d: {  	v4 =	vld [tilespmem:s20+$0xC00];
	vm15 =	vmneg vm2;
	v5 =	vnsel vm0, $0xFF800000, v1  }
0x6e: {  	v5 =	vsel vm15, v5, v2  }
0x6f: {  	v1 =	vsel vm15, v2, v1;
	vm3 =	vgt.f32 v3, v5  }
0x70: {  	v2 =	vld [tilespmem:s20+$0x1000];
	vm5 =	vgt.f32 v3, v1;
	v5 =	vsel vm3, v3, v5  }
0x71: {  	v7 =	vsel vm2, $0x1, v0;
	vm0 =	vmand vm15, vm0;
	v5 =	vsel vm5, v1, v5  }
0x72: {  	v6 =	vsel vm0, $0x1, v0;
	v1 =	vsel vm5, v3, v1;
	vm6 =	vgt.f32 v4, v5  }
0x73: {  	v61 =	vld [tilespmem:s20+$0x1400];
	v3 =	vsel vm3, $0x2, v6;
	vm7 =	vgt.f32 v4, v1;
	v5 =	vsel vm6, v4, v5  }
0x74: {  	v3 =	vsel vm5, v7, v3;
	v5 =	vsel vm7, v1, v5  }
0x75: {  	v7 =	vsel vm5, $0x2, v7;
	v1 =	vsel vm7, v4, v1;
	vm8 =	vgt.f32 v2, v5  }
0x76: {  	v62 =	vld [tilespmem:s20+$0x1800];
	v3 =	vsel vm6, $0x3, v3;
	vm9 =	vgt.f32 v2, v1;
	v5 =	vsel vm8, v2, v5  }
0x77: {  	v3 =	vsel vm7, v7, v3;
	v5 =	vsel vm9, v1, v5  }
0x78: {  	v7 =	vsel vm7, $0x3, v7;
	v1 =	vsel vm9, v2, v1;
	vm10 =	vgt.f32 v61, v5  }
0x79: {  	v2 =	vsel vm8, $0x4, v3;
	v3 =	vld [tilespmem:s20+$0x1C00];
	vm11 =	vgt.f32 v61, v1;
	v5 =	vsel vm10, v61, v5  }
0x7a: {  	v2 =	vsel vm9, v7, v2;
	v5 =	vsel vm11, v1, v5  }
0x7b: {  	v7 =	vsel vm9, $0x4, v7;
	v1 =	vsel vm11, v61, v1;
	vm12 =	vgt.f32 v62, v5  }
0x7c: {  	v2 =	vsel vm10, $0x5, v2;
	vm13 =	vgt.f32 v62, v1;
	v5 =	vsel vm12, v62, v5  }
0x7d: {  	v63 =	vsel vm11, $0x5, v7;
	v5 =	vsel vm13, v1, v5;
	v1 =	vsel vm13, v62, v1  }
0x7e: {  	v2 =	vsel vm11, v7, v2;
	vm14 =	vgt.f32 v3, v1;
	vm15 =	vgt.f32 v3, v5  }
0x7f: {  	v2 =	vsel vm12, $0x6, v2;
	v5 =	vsel vm15, v3, v5;
	v3 =	vsel vm14, v3, v1  }
0x80: {  	v4 =	vsel vm13, $0x6, v63;
	v2 =	vsel vm13, v63, v2;
	v1 =	vsel vm14, v1, v5;
	[tilespmem:s19+$0x0] =	vst v3  }
0x81: {  	v2 =	vsel vm15, $0x7, v2;
	v3 =	vsel vm14, $0x7, v4;
	[tilespmem:s0+$0x0] =	vst v1  }
0x82: {  	v1 =	vsel vm14, v4, v2;
	[tilespmem:s1+$0x0] =	vst v3  }
0x83: {  	[tilespmem:s31+$0x0] =	vst v1  }
0x84: {  	[hbm4b:s11+s2] =	stream.linear.scatter [tilespmem:s25], [sflag:$0x1], $0x400, $0x38;
	[tilespmem:$0x3000] =	vst v63  }
0x85: {  	_ =	swait.ge [sflag:s18], $0x400  }
0x86: {  	[sflag:s18] =	ssyncset.done $0x0  }
0x87: {  	[sflag:s18] =	ssyncadd.s32 $0xFFFFFC00  }
0x88: {  	[hbm4b:s12+s2] =	stream.linear.scatter [tilespmem:s26], [sflag:$0x1], $0x400, $0x38;
	[tilespmem:$0x3000] =	vst v63  }
0x89: {  	_ =	swait.ge [sflag:s18], $0x400  }
0x8a: {  	[sflag:s18] =	ssyncset.done $0x0  }
0x8b: {  	[sflag:s18] =	ssyncadd.s32 $0xFFFFFC00  }
0x8c: {  	[hbm4b:s13+s2] =	stream.linear.scatter [tilespmem:s28], [sflag:$0x1], $0x400, $0x38;
	[tilespmem:$0x3000] =	vst v63  }
0x8d: {  	s30 =	sadd.s32 $0x1, s30;
	_ =	swait.ge [sflag:s18], $0x400  }
0x8e: {  	p0 =	sne.s32 s30, s15;
	[sflag:s18] =	ssyncset.done $0x0  }
.Ltmp1:
0x8f: {  	s31 =	simm.s32 $0x2C00;
	[sflag:s18] =	ssyncadd.s32 $0xFFFFFC00;
	(pc) =	sbr.rel @p0 .LBB2_1-.Ltmp1, $4  }
0x90: {  	[hbm4b:s14+s2] =	stream.linear.scatter [tilespmem:s31], [sflag:$0x1], $0x400, $0x38;
	[tilespmem:$0x3000] =	vst v63  }
0x91: {  	_ =	swait.ge [sflag:s18], $0x400  }
0x92: {  	[sflag:s18] =	ssyncset.done $0x0  }
0x93: {  	[sflag:s18] =	ssyncadd.s32 $0xFFFFFC00  }
0x94: {  	_ =	sfence.sel $0x180000  }
0x95: {  	[bflag:$0x0] =	sbarrier.arrive $0xFFFF  }
0x96: {  	_ =	strace $0x90000047  }
0x97: {  	s0 =	stileid.u32;
	[bflag:$0x2] =	sbarrier.arrive $0xFFFF  }
0x98: {  	p0 =	sne.s32 s0, $0x0;
	s0 =	rddreg [dreg:$0x3]  }
0x99: {  	s0 =	sadd.s32 @!p0 $0x100000, s0  }
0x9a: {  	[sflag:s0] =	ssyncadd.tile.s32 @!p0 $0x1;
	_ =	shalt  }
.Lfunc_end2:
_tile_overlayer_lowered:
.L_overlay_start_2:
0x9b: {  	(tag) =	ssettag $0x2  }
0x9c: {  	s0 =	rddreg [dreg:$0x0];
	s2 =	stileid.u32  }
0x9d: {  	s1 =	rddreg [dreg:$0x1];
	p0 =	sne.s32 s2, $0x0  }
0x9e: {  	s3 =	rddreg [dreg:$0x2];
	[bflag:$0x3] =	sbarrier.arrive $0xFFFF;
	s2 =	simm.s32 @!p0 $0x1C01  }
0x9f: {  	[timem:s3], [sflag:s2] =	dma.local @!p0 [hbm:s0], s1  }
0xa0: {  	s0 =	simm.s32 @!p0 $0x1  }
0xa1: {  	_ =	swait.ge @!p0 [sflag:s0], s1  }
0xa2: {  	s1 =	ssub.s32 @!p0 $0x0, s1;
	[sflag:s0] =	ssyncset.done @!p0 $0x0  }
0xa3: {  	[sflag:s0] =	ssyncadd.s32 @!p0 s1  }
0xa4: {  	[bflag:$0x3] =	sbarrier.arrive $0xFFFF  }
0xa5: {  	_ =	shalt  }

</sc_bundles>
